<compile_context>
chip_gen: v7x
topology: tpu7x:2x2x1
jax: 0.10.2.dev20260603
libtpu: 0.0.44.dev20260713+nightly
codegen_flags: <defaults>
</compile_context>

<pallas_src>
import functools

import jax
import jax.numpy as jnp
from jax import lax
from jax.experimental import pallas as pl
from jax.experimental.pallas import tpu as pltpu
import jax.experimental.pallas.tpu_sc as plsc

N = 10000
E = 320000
D = 128
DE = 16

NW = 32
EPW = 10240
E_PAD = NW * EPW
K = 128
NPT = 320
N_PAD = NW * NPT

BE = 1024
BN = 1000



def _node_mm2_body(x_ref, w1_ref, b1_ref, w2_ref, b2_ref, o1_ref, o2_ref):
    xb = x_ref[...]
    o1_ref[...] = jnp.dot(xb, w1_ref[...], preferred_element_type=jnp.float32) + b1_ref[...]
    o2_ref[...] = jnp.dot(xb, w2_ref[...], preferred_element_type=jnp.float32) + b2_ref[...]


def _node_mm2(x, w1, b1, w2, b2):
    grid = N // BN
    return pl.pallas_call(
        _node_mm2_body,
        grid=(grid,),
        in_specs=[
            pl.BlockSpec((BN, D), lambda i: (i, 0)),
            pl.BlockSpec((D, D), lambda i: (0, 0)),
            pl.BlockSpec((D,), lambda i: (0,)),
            pl.BlockSpec((D, D), lambda i: (0, 0)),
            pl.BlockSpec((D,), lambda i: (0,)),
        ],
        out_specs=[
            pl.BlockSpec((BN, D), lambda i: (i, 0)),
            pl.BlockSpec((BN, D), lambda i: (i, 0)),
        ],
        out_shape=[
            jax.ShapeDtypeStruct((N, D), jnp.float32),
            jax.ShapeDtypeStruct((N, D), jnp.float32),
        ],
    )(x, w1, b1, w2, b2)



def _gather_body(m1_hbm, m2_hbm, row_hbm, col_hbm, g1_hbm, g2_hbm,
                 ridx, cidx, buf1, buf2, sem1, sem2):
    wid = lax.axis_index("s") * 2 + lax.axis_index("c")
    base = wid * EPW

    def chunk(ci, carry):
        off = base + ci * K
        pltpu.sync_copy(row_hbm.at[pl.ds(off, K)], ridx)
        pltpu.sync_copy(col_hbm.at[pl.ds(off, K)], cidx)
        cp1 = pltpu.async_copy(m1_hbm.at[ridx], buf1, sem1)
        cp2 = pltpu.async_copy(m2_hbm.at[cidx], buf2, sem2)
        cp1.wait()
        cp2.wait()
        pltpu.sync_copy(buf1, g1_hbm.at[pl.ds(off, K)])
        pltpu.sync_copy(buf2, g2_hbm.at[pl.ds(off, K)])
        return carry

    lax.fori_loop(0, EPW // K, chunk, 0)


def _edge_gather(m1, m2, row_pad, col_pad):
    f = functools.partial(
        pl.kernel,
        out_type=[
            jax.ShapeDtypeStruct((E_PAD, D), jnp.float32),
            jax.ShapeDtypeStruct((E_PAD, D), jnp.float32),
        ],
        mesh=plsc.VectorSubcoreMesh(core_axis_name="c", subcore_axis_name="s"),
        scratch_types=[
            pltpu.VMEM((K,), jnp.int32),
            pltpu.VMEM((K,), jnp.int32),
            pltpu.VMEM((K, D), jnp.float32),
            pltpu.VMEM((K, D), jnp.float32),
            pltpu.SemaphoreType.DMA,
            pltpu.SemaphoreType.DMA,
        ],
    )(_gather_body)
    return f(m1, m2, row_pad, col_pad)



def _edge_mlp_body(g1_ref, g2_ref, ea_ref, wme_ref, bme_ref, wnet_ref, bnet_ref, h_ref):
    msge = jnp.dot(ea_ref[...], wme_ref[...], preferred_element_type=jnp.float32)
    msg = jnp.maximum(g1_ref[...] + g2_ref[...] + msge + bme_ref[...], 0.0)
    h = jnp.dot(msg, wnet_ref[...], preferred_element_type=jnp.float32) + bnet_ref[...]
    h_ref[...] = jnp.maximum(h, 0.0)


def _edge_mlp(g1, g2, ea_pad, wme, bme, wnet, bnet):
    grid = E_PAD // BE
    return pl.pallas_call(
        _edge_mlp_body,
        grid=(grid,),
        in_specs=[
            pl.BlockSpec((BE, D), lambda i: (i, 0)),
            pl.BlockSpec((BE, D), lambda i: (i, 0)),
            pl.BlockSpec((BE, DE), lambda i: (i, 0)),
            pl.BlockSpec((DE, D), lambda i: (0, 0)),
            pl.BlockSpec((D,), lambda i: (0,)),
            pl.BlockSpec((D, D), lambda i: (0, 0)),
            pl.BlockSpec((D,), lambda i: (0,)),
        ],
        out_specs=pl.BlockSpec((BE, D), lambda i: (i, 0)),
        out_shape=jax.ShapeDtypeStruct((E_PAD, D), jnp.float32),
    )(g1, g2, ea_pad, wme, bme, wnet, bnet)



def _segmax_body(h_hbm, row_hbm, ptr_hbm, agg_hbm, ptr_v, rv, hbuf, acc):
    wid = lax.axis_index("s") * 2 + lax.axis_index("c")
    n0 = wid * NPT

    pltpu.sync_copy(ptr_hbm, ptr_v)

    pv = ptr_v[pl.ds(wid, 16)]
    p0 = pv[0]
    p1 = pv[1]

    zeros = jnp.zeros((16,), jnp.float32)

    def zrow(r, carry):
        for j in range(D // 16):
            acc[r, pl.ds(j * 16, 16)] = zeros
        return carry

    lax.fori_loop(0, NPT, zrow, 0)

    s_start = (p0 // 8) * 8
    nchunks = (p1 - s_start + K - 1) // K

    def chunk(ci, carry):
        s = s_start + ci * K
        pltpu.sync_copy(row_hbm.at[pl.ds(s, K)], rv.at[pl.ds(0, K)])
        pltpu.sync_copy(h_hbm.at[pl.ds(s, K)], hbuf)
        r_lo = jnp.maximum(0, p0 - s)
        r_hi = jnp.minimum(K, p1 - s)

        def edge(r, c2):
            rid = rv[pl.ds(r, 16)][0]
            loc = rid - n0
            for j in range(D // 16):
                sl = pl.ds(j * 16, 16)
                acc[loc, sl] = jnp.maximum(acc[loc, sl], hbuf[r, sl])
            return c2

        lax.fori_loop(r_lo, r_hi, edge, 0)
        return carry

    lax.fori_loop(0, nchunks, chunk, 0)
    pltpu.sync_copy(acc, agg_hbm.at[pl.ds(n0, NPT)])


def _segmax(h, row_pad, ptr):
    f = functools.partial(
        pl.kernel,
        out_type=jax.ShapeDtypeStruct((N_PAD, D), jnp.float32),
        mesh=plsc.VectorSubcoreMesh(core_axis_name="c", subcore_axis_name="s"),
        scratch_types=[
            pltpu.VMEM((48,), jnp.int32),
            pltpu.VMEM((K + 16,), jnp.int32),
            pltpu.VMEM((K, D), jnp.float32),
            pltpu.VMEM((NPT, D), jnp.float32),
        ],
    )(_segmax_body)
    return f(h, row_pad, ptr)



def _out_body(x_ref, agg_ref, wo1_ref, bo1_ref, wo2_ref, bo2_ref, o_ref):
    h1 = jnp.dot(x_ref[...], wo1_ref[...], preferred_element_type=jnp.float32) + bo1_ref[...]
    h2 = jnp.dot(agg_ref[...], wo2_ref[...], preferred_element_type=jnp.float32) + bo2_ref[...]
    o_ref[...] = h1 + h2


def _out_combine(x, agg, wo1, bo1, wo2, bo2):
    grid = N // BN
    return pl.pallas_call(
        _out_body,
        grid=(grid,),
        in_specs=[
            pl.BlockSpec((BN, D), lambda i: (i, 0)),
            pl.BlockSpec((BN, D), lambda i: (i, 0)),
            pl.BlockSpec((D, D), lambda i: (0, 0)),
            pl.BlockSpec((D,), lambda i: (0,)),
            pl.BlockSpec((D, D), lambda i: (0, 0)),
            pl.BlockSpec((D,), lambda i: (0,)),
        ],
        out_specs=pl.BlockSpec((BN, D), lambda i: (i, 0)),
        out_shape=jax.ShapeDtypeStruct((N, D), jnp.float32),
    )(x, agg, wo1, bo1, wo2, bo2)



def kernel(x, adj_t, edge_attr, W_m1, b_m1, W_m2, b_m2, W_me, b_me,
           W_net, b_net, W_o1, b_o1, W_o2, b_o2):
    row = adj_t[0].astype(jnp.int32)
    col = adj_t[1].astype(jnp.int32)

    row_pad = jnp.pad(row, (0, E_PAD - E))
    col_pad = jnp.pad(col, (0, E_PAD - E))
    ea_pad = jnp.pad(edge_attr, ((0, E_PAD - E), (0, 0)))

    bounds = jnp.arange(NW + 1, dtype=jnp.int32) * NPT
    ptr = jnp.searchsorted(row, bounds, side="left").astype(jnp.int32)
    ptr = jnp.pad(ptr, (0, 48 - (NW + 1)))

    msg1, msg2 = _node_mm2(x, W_m1, b_m1, W_m2, b_m2)
    g1, g2 = _edge_gather(msg1, msg2, row_pad, col_pad)
    h = _edge_mlp(g1, g2, ea_pad, W_me, b_me, W_net, b_net)
    agg = _segmax(h, row_pad, ptr)
    out = _out_combine(x, agg[:N], W_o1, b_o1, W_o2, b_o2)
    return out

# --- scband reference (transcript-rebuilt; emitter-appended) ---
"""Pipeline reference for scband-sparse-mpnn-conv-59270548685206 (READ-ONLY COPY).

The authoritative reference and input builder live on the scoring server;
editing this copy changes nothing except your own understanding.
"""

import jax, jax.numpy as jnp
import numpy as np

N = 10000
E = 320000
D_IN = 128
D_EDGE = 16
D_MID = 128
D_OUT = 128


def _lin_init(key, fan_in, fan_out):
    k1, k2 = jax.random.split(key)
    bound = 1.0 / np.sqrt(fan_in)
    W = jax.random.uniform(k1, (fan_in, fan_out), jnp.float32, -bound, bound)
    b = jax.random.uniform(k2, (fan_out,), jnp.float32, -bound, bound)
    return W, b


def setup_inputs(seed: int = 0) -> dict:
    key = jax.random.key(seed)
    ks = jax.random.split(key, 10)
    x = jax.random.normal(ks[0], (N, D_IN), dtype=jnp.float32)
    edge_attr = jax.random.normal(ks[1], (E, D_EDGE), dtype=jnp.float32)
    row = jax.random.randint(ks[2], (E,), 0, N, dtype=jnp.int64) if jax.config.jax_enable_x64 else jax.random.randint(ks[2], (E,), 0, N, dtype=jnp.int32)
    col = jax.random.randint(ks[3], (E,), 0, N, dtype=row.dtype)
    # CSR-like adjacency: rows sorted (mimics SparseTensor storage layout)
    order = jnp.argsort(row)
    adj_t = jnp.stack([row[order], col[order]], axis=0)
    W_m1, b_m1 = _lin_init(ks[4], D_IN, D_MID)
    W_m2, b_m2 = _lin_init(ks[5], D_IN, D_MID)
    W_me, b_me = _lin_init(ks[6], D_EDGE, D_MID)
    W_net, b_net = _lin_init(ks[7], D_MID, D_MID)
    W_o1, b_o1 = _lin_init(ks[8], D_IN, D_OUT)
    W_o2, b_o2 = _lin_init(ks[9], D_MID, D_OUT)
    return {"x": x, "adj_t": adj_t, "edge_attr": edge_attr,
            "W_m1": W_m1, "b_m1": b_m1, "W_m2": W_m2, "b_m2": b_m2,
            "W_me": W_me, "b_me": b_me, "W_net": W_net, "b_net": b_net,
            "W_o1": W_o1, "b_o1": b_o1, "W_o2": W_o2, "b_o2": b_o2}


def reference(x, adj_t, edge_attr, W_m1, b_m1, W_m2, b_m2, W_me, b_me,
              W_net, b_net, W_o1, b_o1, W_o2, b_o2):
    row = adj_t[0]
    col = adj_t[1]
    msg_1 = x @ W_m1 + b_m1                      # [N, MID]
    msg_2 = x @ W_m2 + b_m2                      # [N, MID]
    msg_e = edge_attr @ W_me + b_me              # [E, MID]
    msg = jax.nn.relu(jnp.take(msg_1, row, axis=0) + jnp.take(msg_2, col, axis=0) + msg_e)
    # net: Sequential(Linear(MID, MID), ReLU())
    msg = jax.nn.relu(msg @ W_net + b_net)       # [E, MID]
    agg = jax.ops.segment_max(msg, row, num_segments=N)  # max aggregation by dst row
    agg = jnp.where(jnp.isfinite(agg), agg, 0.0)          # empty segments -> 0
    h_1 = x @ W_o1 + b_o1
    h_2 = agg @ W_o2 + b_o2
    out = h_1 + h_2
    return out

if __name__ == "__main__":
    import jax
    _d = setup_inputs()
    print(jax.jit(kernel)(*tuple(_d.values())))

</pallas_src>

<mosaic_0001>
#map = affine_map<(d0, d1) -> (0, 0)>
#map1 = affine_map<(d0, d1) -> (0)>
module attributes {stable_mosaic.version = 14 : i64} {
  func.func @_gather_body(%arg0: i32, %arg1: i32, %arg2: memref<10000x128xf32, #tpu.memory_space<hbm>>, %arg3: memref<10000x128xf32, #tpu.memory_space<hbm>>, %arg4: memref<327680xi32, #tpu.memory_space<hbm>>, %arg5: memref<327680xi32, #tpu.memory_space<hbm>>, %arg6: memref<327680x128xf32, #tpu.memory_space<hbm>>, %arg7: memref<327680x128xf32, #tpu.memory_space<hbm>>, %arg8: memref<128xi32, #tpu.memory_space<vmem>>, %arg9: memref<128xi32, #tpu.memory_space<vmem>>, %arg10: memref<128x128xf32, #tpu.memory_space<vmem>>, %arg11: memref<128x128xf32, #tpu.memory_space<vmem>>, %arg12: memref<!tpu.dma_semaphore, #tpu.memory_space<semaphore_mem>>, %arg13: memref<!tpu.dma_semaphore, #tpu.memory_space<semaphore_mem>>) attributes {dimension_semantics = [#tpu.dimension_semantics<core_parallel>, #tpu.dimension_semantics<subcore_parallel>], iteration_bounds = array<i64: 2, 16>, scalar_prefetch = 0 : i64, scratch_operands = 6 : i64, tpu.core_type = #tpu.core_type<sc_vector_subcore>, window_params = [{transform_indices = #map}, {transform_indices = #map}, {transform_indices = #map1}, {transform_indices = #map1}, {transform_indices = #map}, {transform_indices = #map}]} {
    %mul3A = arith.constant 2 : i32
    %mul3A_0 = arith.muli %arg1, %mul3A : i32
    %add3A = arith.addi %mul3A_0, %arg0 : i32
    %mul3A_1 = arith.constant 10240 : i32
    %mul3A_2 = arith.muli %add3A, %mul3A_1 : i32
    %scan3A = arith.constant 0 : i32
    %scan3A_3 = arith.constant 0 : i32
    %scan3A_4 = arith.constant 80 : i32
    %scan3A_5 = arith.addi %scan3A_3, %scan3A_4 : i32
    %scan3A_6 = arith.constant 1 : i32
    scf.for %scan3A_8 = %scan3A_3 to %scan3A_5 step %scan3A_6  : i32 {
      %mul3A_9 = arith.constant 128 : i32
      %mul3A_10 = arith.muli %scan3A_8, %mul3A_9 : i32
      %add3A_11 = arith.addi %mul3A_2, %mul3A_10 : i32
      "tpu.region"() ({
        %run_scoped3A = tpu.sem_alloc : memref<!tpu.dma_semaphore, #tpu.memory_space<semaphore_mem>>
        %dma_start3A_22 = tpu.memref_slice %arg4[%add3A_11] : memref<327680xi32, #tpu.memory_space<hbm>> -> memref<128xi32, #tpu.memory_space<hbm>>
        %dma_start3A_23 = tpu.memref_slice %arg4[%add3A_11] : memref<327680xi32, #tpu.memory_space<hbm>> -> memref<128xi32, #tpu.memory_space<hbm>>
        tpu.enqueue_dma source(%dma_start3A_23 : memref<128xi32, #tpu.memory_space<hbm>>) target(%arg8 : memref<128xi32, #tpu.memory_space<vmem>>) target_semaphore(%run_scoped3A : memref<!tpu.dma_semaphore, #tpu.memory_space<semaphore_mem>>)
        %dma_wait3A_24 = tpu.memref_slice %arg4[%add3A_11] : memref<327680xi32, #tpu.memory_space<hbm>> -> memref<128xi32, #tpu.memory_space<hbm>>
        %dma_wait3A_25 = tpu.memref_slice %arg4[%add3A_11] : memref<327680xi32, #tpu.memory_space<hbm>> -> memref<128xi32, #tpu.memory_space<hbm>>
        tpu.wait_dma2 semaphore(%run_scoped3A : memref<!tpu.dma_semaphore, #tpu.memory_space<semaphore_mem>>) src(%dma_wait3A_25 : memref<128xi32, #tpu.memory_space<hbm>>) dst(%arg8 : memref<128xi32, #tpu.memory_space<vmem>>)
        tpu.yield
      }) : () -> ()
      "tpu.region"() ({
        %run_scoped3A = tpu.sem_alloc : memref<!tpu.dma_semaphore, #tpu.memory_space<semaphore_mem>>
        %dma_start3A_22 = tpu.memref_slice %arg5[%add3A_11] : memref<327680xi32, #tpu.memory_space<hbm>> -> memref<128xi32, #tpu.memory_space<hbm>>
        %dma_start3A_23 = tpu.memref_slice %arg5[%add3A_11] : memref<327680xi32, #tpu.memory_space<hbm>> -> memref<128xi32, #tpu.memory_space<hbm>>
        tpu.enqueue_dma source(%dma_start3A_23 : memref<128xi32, #tpu.memory_space<hbm>>) target(%arg9 : memref<128xi32, #tpu.memory_space<vmem>>) target_semaphore(%run_scoped3A : memref<!tpu.dma_semaphore, #tpu.memory_space<semaphore_mem>>)
        %dma_wait3A_24 = tpu.memref_slice %arg5[%add3A_11] : memref<327680xi32, #tpu.memory_space<hbm>> -> memref<128xi32, #tpu.memory_space<hbm>>
        %dma_wait3A_25 = tpu.memref_slice %arg5[%add3A_11] : memref<327680xi32, #tpu.memory_space<hbm>> -> memref<128xi32, #tpu.memory_space<hbm>>
        tpu.wait_dma2 semaphore(%run_scoped3A : memref<!tpu.dma_semaphore, #tpu.memory_space<semaphore_mem>>) src(%dma_wait3A_25 : memref<128xi32, #tpu.memory_space<hbm>>) dst(%arg9 : memref<128xi32, #tpu.memory_space<vmem>>)
        tpu.yield
      }) : () -> ()
      %dma_start3A = arith.constant 0 : i32
      %dma_start3A_12 = arith.constant 0 : i32
      %dma_start3A_13 = tpu.memref_slice %arg2[%dma_start3A, %dma_start3A_12] : memref<10000x128xf32, #tpu.memory_space<hbm>> -> memref<10000x128xf32, #tpu.memory_space<hbm>>
      tpu.enqueue_indirect_dma source(%dma_start3A_13 : memref<10000x128xf32, #tpu.memory_space<hbm>>) target(%arg10 : memref<128x128xf32, #tpu.memory_space<vmem>>) offsets(%arg8 : memref<128xi32, #tpu.memory_space<vmem>>) semaphore(%arg12 : memref<!tpu.dma_semaphore, #tpu.memory_space<semaphore_mem>>)
      %dma_start3A_14 = arith.constant 0 : i32
      %dma_start3A_15 = arith.constant 0 : i32
      %dma_start3A_16 = tpu.memref_slice %arg3[%dma_start3A_14, %dma_start3A_15] : memref<10000x128xf32, #tpu.memory_space<hbm>> -> memref<10000x128xf32, #tpu.memory_space<hbm>>
      tpu.enqueue_indirect_dma source(%dma_start3A_16 : memref<10000x128xf32, #tpu.memory_space<hbm>>) target(%arg11 : memref<128x128xf32, #tpu.memory_space<vmem>>) offsets(%arg9 : memref<128xi32, #tpu.memory_space<vmem>>) semaphore(%arg13 : memref<!tpu.dma_semaphore, #tpu.memory_space<semaphore_mem>>)
      %dma_wait3A = arith.constant 0 : i32
      %dma_wait3A_17 = arith.constant 0 : i32
      %dma_wait3A_18 = tpu.memref_slice %arg2[%dma_wait3A, %dma_wait3A_17] : memref<10000x128xf32, #tpu.memory_space<hbm>> -> memref<10000x128xf32, #tpu.memory_space<hbm>>
      tpu.wait_indirect_dma semaphore(%arg12 : memref<!tpu.dma_semaphore, #tpu.memory_space<semaphore_mem>>) src(%dma_wait3A_18 : memref<10000x128xf32, #tpu.memory_space<hbm>>) dst(%arg10 : memref<128x128xf32, #tpu.memory_space<vmem>>)
      %dma_wait3A_19 = arith.constant 0 : i32
      %dma_wait3A_20 = arith.constant 0 : i32
      %dma_wait3A_21 = tpu.memref_slice %arg3[%dma_wait3A_19, %dma_wait3A_20] : memref<10000x128xf32, #tpu.memory_space<hbm>> -> memref<10000x128xf32, #tpu.memory_space<hbm>>
      tpu.wait_indirect_dma semaphore(%arg13 : memref<!tpu.dma_semaphore, #tpu.memory_space<semaphore_mem>>) src(%dma_wait3A_21 : memref<10000x128xf32, #tpu.memory_space<hbm>>) dst(%arg11 : memref<128x128xf32, #tpu.memory_space<vmem>>)
      "tpu.region"() ({
        %run_scoped3A = tpu.sem_alloc : memref<!tpu.dma_semaphore, #tpu.memory_space<semaphore_mem>>
        %dma_start3A_22 = arith.constant 0 : i32
        %dma_start3A_23 = tpu.memref_slice %arg6[%add3A_11, %dma_start3A_22] : memref<327680x128xf32, #tpu.memory_space<hbm>> -> memref<128x128xf32, #tpu.memory_space<hbm>>
        %dma_start3A_24 = arith.constant 0 : i32
        %dma_start3A_25 = tpu.memref_slice %arg6[%add3A_11, %dma_start3A_24] : memref<327680x128xf32, #tpu.memory_space<hbm>> -> memref<128x128xf32, #tpu.memory_space<hbm>>
        tpu.enqueue_dma source(%arg10 : memref<128x128xf32, #tpu.memory_space<vmem>>) target(%dma_start3A_25 : memref<128x128xf32, #tpu.memory_space<hbm>>) target_semaphore(%run_scoped3A : memref<!tpu.dma_semaphore, #tpu.memory_space<semaphore_mem>>)
        %dma_wait3A_26 = arith.constant 0 : i32
        %dma_wait3A_27 = tpu.memref_slice %arg6[%add3A_11, %dma_wait3A_26] : memref<327680x128xf32, #tpu.memory_space<hbm>> -> memref<128x128xf32, #tpu.memory_space<hbm>>
        %dma_wait3A_28 = arith.constant 0 : i32
        %dma_wait3A_29 = tpu.memref_slice %arg6[%add3A_11, %dma_wait3A_28] : memref<327680x128xf32, #tpu.memory_space<hbm>> -> memref<128x128xf32, #tpu.memory_space<hbm>>
        tpu.wait_dma2 semaphore(%run_scoped3A : memref<!tpu.dma_semaphore, #tpu.memory_space<semaphore_mem>>) src(%arg10 : memref<128x128xf32, #tpu.memory_space<vmem>>) dst(%dma_wait3A_29 : memref<128x128xf32, #tpu.memory_space<hbm>>)
        tpu.yield
      }) : () -> ()
      "tpu.region"() ({
        %run_scoped3A = tpu.sem_alloc : memref<!tpu.dma_semaphore, #tpu.memory_space<semaphore_mem>>
        %dma_start3A_22 = arith.constant 0 : i32
        %dma_start3A_23 = tpu.memref_slice %arg7[%add3A_11, %dma_start3A_22] : memref<327680x128xf32, #tpu.memory_space<hbm>> -> memref<128x128xf32, #tpu.memory_space<hbm>>
        %dma_start3A_24 = arith.constant 0 : i32
        %dma_start3A_25 = tpu.memref_slice %arg7[%add3A_11, %dma_start3A_24] : memref<327680x128xf32, #tpu.memory_space<hbm>> -> memref<128x128xf32, #tpu.memory_space<hbm>>
        tpu.enqueue_dma source(%arg11 : memref<128x128xf32, #tpu.memory_space<vmem>>) target(%dma_start3A_25 : memref<128x128xf32, #tpu.memory_space<hbm>>) target_semaphore(%run_scoped3A : memref<!tpu.dma_semaphore, #tpu.memory_space<semaphore_mem>>)
        %dma_wait3A_26 = arith.constant 0 : i32
        %dma_wait3A_27 = tpu.memref_slice %arg7[%add3A_11, %dma_wait3A_26] : memref<327680x128xf32, #tpu.memory_space<hbm>> -> memref<128x128xf32, #tpu.memory_space<hbm>>
        %dma_wait3A_28 = arith.constant 0 : i32
        %dma_wait3A_29 = tpu.memref_slice %arg7[%add3A_11, %dma_wait3A_28] : memref<327680x128xf32, #tpu.memory_space<hbm>> -> memref<128x128xf32, #tpu.memory_space<hbm>>
        tpu.wait_dma2 semaphore(%run_scoped3A : memref<!tpu.dma_semaphore, #tpu.memory_space<semaphore_mem>>) src(%arg11 : memref<128x128xf32, #tpu.memory_space<vmem>>) dst(%dma_wait3A_29 : memref<128x128xf32, #tpu.memory_space<hbm>>)
        tpu.yield
      }) : () -> ()
    }
    %scan3A_7 = arith.constant 80 : i32
    return
  }
}

#map = affine_map<(d0, d1) -> (0, 0)>
#map1 = affine_map<(d0, d1) -> (0)>
module attributes {stable_mosaic.version = 14 : i64} {
  func.func @_segmax_body(%arg0: i32, %arg1: i32, %arg2: memref<327680x128xf32, #tpu.memory_space<hbm>>, %arg3: memref<327680xi32, #tpu.memory_space<hbm>>, %arg4: memref<48xi32, #tpu.memory_space<hbm>>, %arg5: memref<10240x128xf32, #tpu.memory_space<hbm>>, %arg6: memref<48xi32, #tpu.memory_space<vmem>>, %arg7: memref<144xi32, #tpu.memory_space<vmem>>, %arg8: memref<128x128xf32, #tpu.memory_space<vmem>>, %arg9: memref<320x128xf32, #tpu.memory_space<vmem>>) attributes {dimension_semantics = [#tpu.dimension_semantics<core_parallel>, #tpu.dimension_semantics<subcore_parallel>], iteration_bounds = array<i64: 2, 16>, scalar_prefetch = 0 : i64, scratch_operands = 4 : i64, tpu.core_type = #tpu.core_type<sc_vector_subcore>, window_params = [{transform_indices = #map}, {transform_indices = #map1}, {transform_indices = #map1}, {transform_indices = #map}]} {
    %mul3A = arith.constant 2 : i32
    %mul3A_0 = arith.muli %arg1, %mul3A : i32
    %add3A = arith.addi %mul3A_0, %arg0 : i32
    %mul3A_1 = arith.constant 320 : i32
    %mul3A_2 = arith.muli %add3A, %mul3A_1 : i32
    "tpu.region"() ({
      %run_scoped3A = tpu.sem_alloc : memref<!tpu.dma_semaphore, #tpu.memory_space<semaphore_mem>>
      tpu.enqueue_dma source(%arg4 : memref<48xi32, #tpu.memory_space<hbm>>) target(%arg6 : memref<48xi32, #tpu.memory_space<vmem>>) target_semaphore(%run_scoped3A : memref<!tpu.dma_semaphore, #tpu.memory_space<semaphore_mem>>)
      tpu.wait_dma2 semaphore(%run_scoped3A : memref<!tpu.dma_semaphore, #tpu.memory_space<semaphore_mem>>) src(%arg4 : memref<48xi32, #tpu.memory_space<hbm>>) dst(%arg6 : memref<48xi32, #tpu.memory_space<vmem>>)
      tpu.yield
    }) : () -> ()
    %get3A = arith.index_cast %add3A : i32 to index
    %get3A_3 = tpu.vector_load %arg6[%get3A] {strides = array<i32>} : memref<48xi32, #tpu.memory_space<vmem>>, vector<16xi32>,
    %get3A_4 = vector.shape_cast %get3A_3 : vector<16xi32> to vector<16xi32>
    %slice3A = vector.extract_strided_slice %get3A_4 {offsets = [0], sizes = [1], strides = [1]} : vector<16xi32> to vector<1xi32>
    %squeeze3A = vector.extract %slice3A[0] : i32 from vector<1xi32>
    %slice3A_5 = vector.extract_strided_slice %get3A_4 {offsets = [1], sizes = [1], strides = [1]} : vector<16xi32> to vector<1xi32>
    %squeeze3A_6 = vector.extract %slice3A_5[0] : i32 from vector<1xi32>
    %broadcast_in_dim3A = arith.constant 0.000000e+00 : f32
    %broadcast_in_dim3A_7 = vector.broadcast %broadcast_in_dim3A : f32 to vector<16xf32>
    %scan3A = arith.constant 0 : i32
    %scan3A_8 = arith.constant 0 : i32
    %scan3A_9 = arith.constant 320 : i32
    %scan3A_10 = arith.addi %scan3A_8, %scan3A_9 : i32
    %scan3A_11 = arith.constant 1 : i32
    scf.for %scan3A_69 = %scan3A_8 to %scan3A_10 step %scan3A_11  : i32 {
      %swap3A = arith.index_cast %scan3A_69 : i32 to index
      %swap3A_70 = arith.constant 0 : index
      %swap3A_71 = tpu.vector_load %arg9[%swap3A, %swap3A_70] {strides = array<i32>} : memref<320x128xf32, #tpu.memory_space<vmem>>, vector<1x16xf32>,
      %swap3A_72 = vector.shape_cast %swap3A_71 : vector<1x16xf32> to vector<16xf32>
      %swap3A_73 = vector.shape_cast %broadcast_in_dim3A_7 : vector<16xf32> to vector<1x16xf32>
      tpu.vector_store %arg9[%swap3A, %swap3A_70], %swap3A_73 {strides = array<i32>} : memref<320x128xf32, #tpu.memory_space<vmem>>, vector<1x16xf32>,
      %swap3A_74 = arith.index_cast %scan3A_69 : i32 to index
      %swap3A_75 = arith.constant 16 : index
      %swap3A_76 = tpu.vector_load %arg9[%swap3A_74, %swap3A_75] {strides = array<i32>} : memref<320x128xf32, #tpu.memory_space<vmem>>, vector<1x16xf32>,
      %swap3A_77 = vector.shape_cast %swap3A_76 : vector<1x16xf32> to vector<16xf32>
      %swap3A_78 = vector.shape_cast %broadcast_in_dim3A_7 : vector<16xf32> to vector<1x16xf32>
      tpu.vector_store %arg9[%swap3A_74, %swap3A_75], %swap3A_78 {strides = array<i32>} : memref<320x128xf32, #tpu.memory_space<vmem>>, vector<1x16xf32>,
      %swap3A_79 = arith.index_cast %scan3A_69 : i32 to index
      %swap3A_80 = arith.constant 32 : index
      %swap3A_81 = tpu.vector_load %arg9[%swap3A_79, %swap3A_80] {strides = array<i32>} : memref<320x128xf32, #tpu.memory_space<vmem>>, vector<1x16xf32>,
      %swap3A_82 = vector.shape_cast %swap3A_81 : vector<1x16xf32> to vector<16xf32>
      %swap3A_83 = vector.shape_cast %broadcast_in_dim3A_7 : vector<16xf32> to vector<1x16xf32>
      tpu.vector_store %arg9[%swap3A_79, %swap3A_80], %swap3A_83 {strides = array<i32>} : memref<320x128xf32, #tpu.memory_space<vmem>>, vector<1x16xf32>,
      %swap3A_84 = arith.index_cast %scan3A_69 : i32 to index
      %swap3A_85 = arith.constant 48 : index
      %swap3A_86 = tpu.vector_load %arg9[%swap3A_84, %swap3A_85] {strides = array<i32>} : memref<320x128xf32, #tpu.memory_space<vmem>>, vector<1x16xf32>,
      %swap3A_87 = vector.shape_cast %swap3A_86 : vector<1x16xf32> to vector<16xf32>
      %swap3A_88 = vector.shape_cast %broadcast_in_dim3A_7 : vector<16xf32> to vector<1x16xf32>
      tpu.vector_store %arg9[%swap3A_84, %swap3A_85], %swap3A_88 {strides = array<i32>} : memref<320x128xf32, #tpu.memory_space<vmem>>, vector<1x16xf32>,
      %swap3A_89 = arith.index_cast %scan3A_69 : i32 to index
      %swap3A_90 = arith.constant 64 : index
      %swap3A_91 = tpu.vector_load %arg9[%swap3A_89, %swap3A_90] {strides = array<i32>} : memref<320x128xf32, #tpu.memory_space<vmem>>, vector<1x16xf32>,
      %swap3A_92 = vector.shape_cast %swap3A_91 : vector<1x16xf32> to vector<16xf32>
      %swap3A_93 = vector.shape_cast %broadcast_in_dim3A_7 : vector<16xf32> to vector<1x16xf32>
      tpu.vector_store %arg9[%swap3A_89, %swap3A_90], %swap3A_93 {strides = array<i32>} : memref<320x128xf32, #tpu.memory_space<vmem>>, vector<1x16xf32>,
      %swap3A_94 = arith.index_cast %scan3A_69 : i32 to index
      %swap3A_95 = arith.constant 80 : index
      %swap3A_96 = tpu.vector_load %arg9[%swap3A_94, %swap3A_95] {strides = array<i32>} : memref<320x128xf32, #tpu.memory_space<vmem>>, vector<1x16xf32>,
      %swap3A_97 = vector.shape_cast %swap3A_96 : vector<1x16xf32> to vector<16xf32>
      %swap3A_98 = vector.shape_cast %broadcast_in_dim3A_7 : vector<16xf32> to vector<1x16xf32>
      tpu.vector_store %arg9[%swap3A_94, %swap3A_95], %swap3A_98 {strides = array<i32>} : memref<320x128xf32, #tpu.memory_space<vmem>>, vector<1x16xf32>,
      %swap3A_99 = arith.index_cast %scan3A_69 : i32 to index
      %swap3A_100 = arith.constant 96 : index
      %swap3A_101 = tpu.vector_load %arg9[%swap3A_99, %swap3A_100] {strides = array<i32>} : memref<320x128xf32, #tpu.memory_space<vmem>>, vector<1x16xf32>,
      %swap3A_102 = vector.shape_cast %swap3A_101 : vector<1x16xf32> to vector<16xf32>
      %swap3A_103 = vector.shape_cast %broadcast_in_dim3A_7 : vector<16xf32> to vector<1x16xf32>
      tpu.vector_store %arg9[%swap3A_99, %swap3A_100], %swap3A_103 {strides = array<i32>} : memref<320x128xf32, #tpu.memory_space<vmem>>, vector<1x16xf32>,
      %swap3A_104 = arith.index_cast %scan3A_69 : i32 to index
      %swap3A_105 = arith.constant 112 : index
      %swap3A_106 = tpu.vector_load %arg9[%swap3A_104, %swap3A_105] {strides = array<i32>} : memref<320x128xf32, #tpu.memory_space<vmem>>, vector<1x16xf32>,
      %swap3A_107 = vector.shape_cast %swap3A_106 : vector<1x16xf32> to vector<16xf32>
      %swap3A_108 = vector.shape_cast %broadcast_in_dim3A_7 : vector<16xf32> to vector<1x16xf32>
      tpu.vector_store %arg9[%swap3A_104, %swap3A_105], %swap3A_108 {strides = array<i32>} : memref<320x128xf32, #tpu.memory_space<vmem>>, vector<1x16xf32>,
    }
    %scan3A_12 = arith.constant 320 : i32
    %jit3A = arith.constant 8 : i32
    %div3A = arith.divsi %squeeze3A, %jit3A : i32
    %sign3A = arith.constant 0 : i32
    %sign3A_13 = arith.cmpi sgt, %squeeze3A, %sign3A : i32
    %sign3A_14 = arith.extui %sign3A_13 : i1 to i32
    %sign3A_15 = arith.constant 0 : i32
    %sign3A_16 = arith.cmpi slt, %squeeze3A, %sign3A_15 : i32
    %sign3A_17 = arith.extui %sign3A_16 : i1 to i32
    %sign3A_18 = arith.subi %sign3A_14, %sign3A_17 : i32
    %sign3A_19 = arith.constant 0 : i32
    %sign3A_20 = arith.cmpi sgt, %jit3A, %sign3A_19 : i32
    %sign3A_21 = arith.extui %sign3A_20 : i1 to i32
    %sign3A_22 = arith.constant 0 : i32
    %sign3A_23 = arith.cmpi slt, %jit3A, %sign3A_22 : i32
    %sign3A_24 = arith.extui %sign3A_23 : i1 to i32
    %sign3A_25 = arith.subi %sign3A_21, %sign3A_24 : i32
    %ne3A = arith.cmpi ne, %sign3A_18, %sign3A_25 : i32
    %rem3A = arith.remsi %squeeze3A, %jit3A : i32
    %ne3A_26 = arith.constant 0 : i32
    %ne3A_27 = arith.cmpi ne, %rem3A, %ne3A_26 : i32
    %and3A = arith.andi %ne3A, %ne3A_27 : i1
    %sub3A = arith.constant 1 : i32
    %sub3A_28 = arith.subi %div3A, %sub3A : i32
    %select_n3A = arith.select %and3A, %sub3A_28, %div3A : i32
    %mul3A_29 = arith.constant 8 : i32
    %mul3A_30 = arith.muli %select_n3A, %mul3A_29 : i32
    %sub3A_31 = arith.subi %squeeze3A_6, %mul3A_30 : i32
    %add3A_32 = arith.constant 128 : i32
    %add3A_33 = arith.addi %sub3A_31, %add3A_32 : i32
    %sub3A_34 = arith.constant 1 : i32
    %sub3A_35 = arith.subi %add3A_33, %sub3A_34 : i32
    %jit3A_36 = arith.constant 128 : i32
    %div3A_37 = arith.divsi %sub3A_35, %jit3A_36 : i32
    %sign3A_38 = arith.constant 0 : i32
    %sign3A_39 = arith.cmpi sgt, %sub3A_35, %sign3A_38 : i32
    %sign3A_40 = arith.extui %sign3A_39 : i1 to i32
    %sign3A_41 = arith.constant 0 : i32
    %sign3A_42 = arith.cmpi slt, %sub3A_35, %sign3A_41 : i32
    %sign3A_43 = arith.extui %sign3A_42 : i1 to i32
    %sign3A_44 = arith.subi %sign3A_40, %sign3A_43 : i32
    %sign3A_45 = arith.constant 0 : i32
    %sign3A_46 = arith.cmpi sgt, %jit3A_36, %sign3A_45 : i32
    %sign3A_47 = arith.extui %sign3A_46 : i1 to i32
    %sign3A_48 = arith.constant 0 : i32
    %sign3A_49 = arith.cmpi slt, %jit3A_36, %sign3A_48 : i32
    %sign3A_50 = arith.extui %sign3A_49 : i1 to i32
    %sign3A_51 = arith.subi %sign3A_47, %sign3A_50 : i32
    %ne3A_52 = arith.cmpi ne, %sign3A_44, %sign3A_51 : i32
    %rem3A_53 = arith.remsi %sub3A_35, %jit3A_36 : i32
    %ne3A_54 = arith.constant 0 : i32
    %ne3A_55 = arith.cmpi ne, %rem3A_53, %ne3A_54 : i32
    %and3A_56 = arith.andi %ne3A_52, %ne3A_55 : i1
    %sub3A_57 = arith.constant 1 : i32
    %sub3A_58 = arith.subi %div3A_37, %sub3A_57 : i32
    %select_n3A_59 = arith.select %and3A_56, %sub3A_58, %div3A_37 : i32
    %while3A = arith.constant 0 : i32
    %while3A_60 = arith.constant 0 : i32
    %while3A_61 = arith.subi %select_n3A_59, %while3A_60 : i32
    %while3A_62 = arith.addi %while3A_60, %while3A_61 : i32
    %while3A_63 = arith.constant 1 : i32
    %while3A_64 = arith.divsi %while3A_61, %while3A_63 : i32
    %while3A_65 = arith.muli %while3A_64, %while3A_63 : i32
    %while3A_66 = arith.addi %while3A_60, %while3A_65 : i32
    %while3A_67 = arith.constant 1 : i32
    scf.for %while3A_69 = %while3A_60 to %while3A_66 step %while3A_67  : i32 {
      %mul3A_70 = arith.constant 128 : i32
      %mul3A_71 = arith.muli %while3A_69, %mul3A_70 : i32
      %add3A_72 = arith.addi %mul3A_30, %mul3A_71 : i32
      "tpu.region"() ({
        %run_scoped3A = tpu.sem_alloc : memref<!tpu.dma_semaphore, #tpu.memory_space<semaphore_mem>>
        %dma_start3A = arith.constant 0 : i32
        %dma_start3A_86 = tpu.memref_slice %arg7[%dma_start3A] : memref<144xi32, #tpu.memory_space<vmem>> -> memref<128xi32, #tpu.memory_space<vmem>>
        %dma_start3A_87 = tpu.memref_slice %arg3[%add3A_72] : memref<327680xi32, #tpu.memory_space<hbm>> -> memref<128xi32, #tpu.memory_space<hbm>>
        %dma_start3A_88 = arith.constant 0 : i32
        %dma_start3A_89 = tpu.memref_slice %arg7[%dma_start3A_88] : memref<144xi32, #tpu.memory_space<vmem>> -> memref<128xi32, #tpu.memory_space<vmem>>
        %dma_start3A_90 = tpu.memref_slice %arg3[%add3A_72] : memref<327680xi32, #tpu.memory_space<hbm>> -> memref<128xi32, #tpu.memory_space<hbm>>
        tpu.enqueue_dma source(%dma_start3A_90 : memref<128xi32, #tpu.memory_space<hbm>>) target(%dma_start3A_89 : memref<128xi32, #tpu.memory_space<vmem>>) target_semaphore(%run_scoped3A : memref<!tpu.dma_semaphore, #tpu.memory_space<semaphore_mem>>)
        %dma_wait3A = arith.constant 0 : i32
        %dma_wait3A_91 = tpu.memref_slice %arg7[%dma_wait3A] : memref<144xi32, #tpu.memory_space<vmem>> -> memref<128xi32, #tpu.memory_space<vmem>>
        %dma_wait3A_92 = tpu.memref_slice %arg3[%add3A_72] : memref<327680xi32, #tpu.memory_space<hbm>> -> memref<128xi32, #tpu.memory_space<hbm>>
        %dma_wait3A_93 = arith.constant 0 : i32
        %dma_wait3A_94 = tpu.memref_slice %arg7[%dma_wait3A_93] : memref<144xi32, #tpu.memory_space<vmem>> -> memref<128xi32, #tpu.memory_space<vmem>>
        %dma_wait3A_95 = tpu.memref_slice %arg3[%add3A_72] : memref<327680xi32, #tpu.memory_space<hbm>> -> memref<128xi32, #tpu.memory_space<hbm>>
        tpu.wait_dma2 semaphore(%run_scoped3A : memref<!tpu.dma_semaphore, #tpu.memory_space<semaphore_mem>>) src(%dma_wait3A_95 : memref<128xi32, #tpu.memory_space<hbm>>) dst(%dma_wait3A_94 : memref<128xi32, #tpu.memory_space<vmem>>)
        tpu.yield
      }) : () -> ()
      "tpu.region"() ({
        %run_scoped3A = tpu.sem_alloc : memref<!tpu.dma_semaphore, #tpu.memory_space<semaphore_mem>>
        %dma_start3A = arith.constant 0 : i32
        %dma_start3A_86 = tpu.memref_slice %arg2[%add3A_72, %dma_start3A] : memref<327680x128xf32, #tpu.memory_space<hbm>> -> memref<128x128xf32, #tpu.memory_space<hbm>>
        %dma_start3A_87 = arith.constant 0 : i32
        %dma_start3A_88 = tpu.memref_slice %arg2[%add3A_72, %dma_start3A_87] : memref<327680x128xf32, #tpu.memory_space<hbm>> -> memref<128x128xf32, #tpu.memory_space<hbm>>
        tpu.enqueue_dma source(%dma_start3A_88 : memref<128x128xf32, #tpu.memory_space<hbm>>) target(%arg8 : memref<128x128xf32, #tpu.memory_space<vmem>>) target_semaphore(%run_scoped3A : memref<!tpu.dma_semaphore, #tpu.memory_space<semaphore_mem>>)
        %dma_wait3A = arith.constant 0 : i32
        %dma_wait3A_89 = tpu.memref_slice %arg2[%add3A_72, %dma_wait3A] : memref<327680x128xf32, #tpu.memory_space<hbm>> -> memref<128x128xf32, #tpu.memory_space<hbm>>
        %dma_wait3A_90 = arith.constant 0 : i32
        %dma_wait3A_91 = tpu.memref_slice %arg2[%add3A_72, %dma_wait3A_90] : memref<327680x128xf32, #tpu.memory_space<hbm>> -> memref<128x128xf32, #tpu.memory_space<hbm>>
        tpu.wait_dma2 semaphore(%run_scoped3A : memref<!tpu.dma_semaphore, #tpu.memory_space<semaphore_mem>>) src(%dma_wait3A_91 : memref<128x128xf32, #tpu.memory_space<hbm>>) dst(%arg8 : memref<128x128xf32, #tpu.memory_space<vmem>>)
        tpu.yield
      }) : () -> ()
      %sub3A_73 = arith.subi %squeeze3A, %add3A_72 : i32
      %max3A = arith.constant 0 : i32
      %max3A_74 = arith.maxsi %max3A, %sub3A_73 : i32
      %sub3A_75 = arith.subi %squeeze3A_6, %add3A_72 : i32
      %min3A = arith.constant 128 : i32
      %min3A_76 = arith.minsi %min3A, %sub3A_75 : i32
      %while3A_77 = arith.constant 0 : i32
      %while3A_78 = arith.subi %min3A_76, %max3A_74 : i32
      %while3A_79 = arith.addi %max3A_74, %while3A_78 : i32
      %while3A_80 = arith.constant 1 : i32
      %while3A_81 = arith.divsi %while3A_78, %while3A_80 : i32
      %while3A_82 = arith.muli %while3A_81, %while3A_80 : i32
      %while3A_83 = arith.addi %max3A_74, %while3A_82 : i32
      %while3A_84 = arith.constant 1 : i32
      scf.for %while3A_86 = %max3A_74 to %while3A_83 step %while3A_84  : i32 {
        %get3A_87 = arith.index_cast %while3A_86 : i32 to index
        %get3A_88 = tpu.vector_load %arg7[%get3A_87] {strides = array<i32>} : memref<144xi32, #tpu.memory_space<vmem>>, vector<16xi32>,
        %get3A_89 = vector.shape_cast %get3A_88 : vector<16xi32> to vector<16xi32>
        %slice3A_90 = vector.extract_strided_slice %get3A_89 {offsets = [0], sizes = [1], strides = [1]} : vector<16xi32> to vector<1xi32>
        %squeeze3A_91 = vector.extract %slice3A_90[0] : i32 from vector<1xi32>
        %sub3A_92 = arith.subi %squeeze3A_91, %mul3A_2 : i32
        %get3A_93 = arith.index_cast %sub3A_92 : i32 to index
        %get3A_94 = arith.constant 0 : index
        %get3A_95 = tpu.vector_load %arg9[%get3A_93, %get3A_94] {strides = array<i32>} : memref<320x128xf32, #tpu.memory_space<vmem>>, vector<1x16xf32>,
        %get3A_96 = vector.shape_cast %get3A_95 : vector<1x16xf32> to vector<16xf32>
        %get3A_97 = arith.index_cast %while3A_86 : i32 to index
        %get3A_98 = arith.constant 0 : index
        %get3A_99 = tpu.vector_load %arg8[%get3A_97, %get3A_98] {strides = array<i32>} : memref<128x128xf32, #tpu.memory_space<vmem>>, vector<1x16xf32>,
        %get3A_100 = vector.shape_cast %get3A_99 : vector<1x16xf32> to vector<16xf32>
        %max3A_101 = arith.maximumf %get3A_96, %get3A_100 : vector<16xf32>
        %swap3A = arith.index_cast %sub3A_92 : i32 to index
        %swap3A_102 = arith.constant 0 : index
        %swap3A_103 = tpu.vector_load %arg9[%swap3A, %swap3A_102] {strides = array<i32>} : memref<320x128xf32, #tpu.memory_space<vmem>>, vector<1x16xf32>,
        %swap3A_104 = vector.shape_cast %swap3A_103 : vector<1x16xf32> to vector<16xf32>
        %swap3A_105 = vector.shape_cast %max3A_101 : vector<16xf32> to vector<1x16xf32>
        tpu.vector_store %arg9[%swap3A, %swap3A_102], %swap3A_105 {strides = array<i32>} : memref<320x128xf32, #tpu.memory_space<vmem>>, vector<1x16xf32>,
        %get3A_106 = arith.index_cast %sub3A_92 : i32 to index
        %get3A_107 = arith.constant 16 : index
        %get3A_108 = tpu.vector_load %arg9[%get3A_106, %get3A_107] {strides = array<i32>} : memref<320x128xf32, #tpu.memory_space<vmem>>, vector<1x16xf32>,
        %get3A_109 = vector.shape_cast %get3A_108 : vector<1x16xf32> to vector<16xf32>
        %get3A_110 = arith.index_cast %while3A_86 : i32 to index
        %get3A_111 = arith.constant 16 : index
        %get3A_112 = tpu.vector_load %arg8[%get3A_110, %get3A_111] {strides = array<i32>} : memref<128x128xf32, #tpu.memory_space<vmem>>, vector<1x16xf32>,
        %get3A_113 = vector.shape_cast %get3A_112 : vector<1x16xf32> to vector<16xf32>
        %max3A_114 = arith.maximumf %get3A_109, %get3A_113 : vector<16xf32>
        %swap3A_115 = arith.index_cast %sub3A_92 : i32 to index
        %swap3A_116 = arith.constant 16 : index
        %swap3A_117 = tpu.vector_load %arg9[%swap3A_115, %swap3A_116] {strides = array<i32>} : memref<320x128xf32, #tpu.memory_space<vmem>>, vector<1x16xf32>,
        %swap3A_118 = vector.shape_cast %swap3A_117 : vector<1x16xf32> to vector<16xf32>
        %swap3A_119 = vector.shape_cast %max3A_114 : vector<16xf32> to vector<1x16xf32>
        tpu.vector_store %arg9[%swap3A_115, %swap3A_116], %swap3A_119 {strides = array<i32>} : memref<320x128xf32, #tpu.memory_space<vmem>>, vector<1x16xf32>,
        %get3A_120 = arith.index_cast %sub3A_92 : i32 to index
        %get3A_121 = arith.constant 32 : index
        %get3A_122 = tpu.vector_load %arg9[%get3A_120, %get3A_121] {strides = array<i32>} : memref<320x128xf32, #tpu.memory_space<vmem>>, vector<1x16xf32>,
        %get3A_123 = vector.shape_cast %get3A_122 : vector<1x16xf32> to vector<16xf32>
        %get3A_124 = arith.index_cast %while3A_86 : i32 to index
        %get3A_125 = arith.constant 32 : index
        %get3A_126 = tpu.vector_load %arg8[%get3A_124, %get3A_125] {strides = array<i32>} : memref<128x128xf32, #tpu.memory_space<vmem>>, vector<1x16xf32>,
        %get3A_127 = vector.shape_cast %get3A_126 : vector<1x16xf32> to vector<16xf32>
        %max3A_128 = arith.maximumf %get3A_123, %get3A_127 : vector<16xf32>
        %swap3A_129 = arith.index_cast %sub3A_92 : i32 to index
        %swap3A_130 = arith.constant 32 : index
        %swap3A_131 = tpu.vector_load %arg9[%swap3A_129, %swap3A_130] {strides = array<i32>} : memref<320x128xf32, #tpu.memory_space<vmem>>, vector<1x16xf32>,
        %swap3A_132 = vector.shape_cast %swap3A_131 : vector<1x16xf32> to vector<16xf32>
        %swap3A_133 = vector.shape_cast %max3A_128 : vector<16xf32> to vector<1x16xf32>
        tpu.vector_store %arg9[%swap3A_129, %swap3A_130], %swap3A_133 {strides = array<i32>} : memref<320x128xf32, #tpu.memory_space<vmem>>, vector<1x16xf32>,
        %get3A_134 = arith.index_cast %sub3A_92 : i32 to index
        %get3A_135 = arith.constant 48 : index
        %get3A_136 = tpu.vector_load %arg9[%get3A_134, %get3A_135] {strides = array<i32>} : memref<320x128xf32, #tpu.memory_space<vmem>>, vector<1x16xf32>,
        %get3A_137 = vector.shape_cast %get3A_136 : vector<1x16xf32> to vector<16xf32>
        %get3A_138 = arith.index_cast %while3A_86 : i32 to index
        %get3A_139 = arith.constant 48 : index
        %get3A_140 = tpu.vector_load %arg8[%get3A_138, %get3A_139] {strides = array<i32>} : memref<128x128xf32, #tpu.memory_space<vmem>>, vector<1x16xf32>,
        %get3A_141 = vector.shape_cast %get3A_140 : vector<1x16xf32> to vector<16xf32>
        %max3A_142 = arith.maximumf %get3A_137, %get3A_141 : vector<16xf32>
        %swap3A_143 = arith.index_cast %sub3A_92 : i32 to index
        %swap3A_144 = arith.constant 48 : index
        %swap3A_145 = tpu.vector_load %arg9[%swap3A_143, %swap3A_144] {strides = array<i32>} : memref<320x128xf32, #tpu.memory_space<vmem>>, vector<1x16xf32>,
        %swap3A_146 = vector.shape_cast %swap3A_145 : vector<1x16xf32> to vector<16xf32>
        %swap3A_147 = vector.shape_cast %max3A_142 : vector<16xf32> to vector<1x16xf32>
        tpu.vector_store %arg9[%swap3A_143, %swap3A_144], %swap3A_147 {strides = array<i32>} : memref<320x128xf32, #tpu.memory_space<vmem>>, vector<1x16xf32>,
        %get3A_148 = arith.index_cast %sub3A_92 : i32 to index
        %get3A_149 = arith.constant 64 : index
        %get3A_150 = tpu.vector_load %arg9[%get3A_148, %get3A_149] {strides = array<i32>} : memref<320x128xf32, #tpu.memory_space<vmem>>, vector<1x16xf32>,
        %get3A_151 = vector.shape_cast %get3A_150 : vector<1x16xf32> to vector<16xf32>
        %get3A_152 = arith.index_cast %while3A_86 : i32 to index
        %get3A_153 = arith.constant 64 : index
        %get3A_154 = tpu.vector_load %arg8[%get3A_152, %get3A_153] {strides = array<i32>} : memref<128x128xf32, #tpu.memory_space<vmem>>, vector<1x16xf32>,
        %get3A_155 = vector.shape_cast %get3A_154 : vector<1x16xf32> to vector<16xf32>
        %max3A_156 = arith.maximumf %get3A_151, %get3A_155 : vector<16xf32>
        %swap3A_157 = arith.index_cast %sub3A_92 : i32 to index
        %swap3A_158 = arith.constant 64 : index
        %swap3A_159 = tpu.vector_load %arg9[%swap3A_157, %swap3A_158] {strides = array<i32>} : memref<320x128xf32, #tpu.memory_space<vmem>>, vector<1x16xf32>,
        %swap3A_160 = vector.shape_cast %swap3A_159 : vector<1x16xf32> to vector<16xf32>
        %swap3A_161 = vector.shape_cast %max3A_156 : vector<16xf32> to vector<1x16xf32>
        tpu.vector_store %arg9[%swap3A_157, %swap3A_158], %swap3A_161 {strides = array<i32>} : memref<320x128xf32, #tpu.memory_space<vmem>>, vector<1x16xf32>,
        %get3A_162 = arith.index_cast %sub3A_92 : i32 to index
        %get3A_163 = arith.constant 80 : index
        %get3A_164 = tpu.vector_load %arg9[%get3A_162, %get3A_163] {strides = array<i32>} : memref<320x128xf32, #tpu.memory_space<vmem>>, vector<1x16xf32>,
        %get3A_165 = vector.shape_cast %get3A_164 : vector<1x16xf32> to vector<16xf32>
        %get3A_166 = arith.index_cast %while3A_86 : i32 to index
        %get3A_167 = arith.constant 80 : index
        %get3A_168 = tpu.vector_load %arg8[%get3A_166, %get3A_167] {strides = array<i32>} : memref<128x128xf32, #tpu.memory_space<vmem>>, vector<1x16xf32>,
        %get3A_169 = vector.shape_cast %get3A_168 : vector<1x16xf32> to vector<16xf32>
        %max3A_170 = arith.maximumf %get3A_165, %get3A_169 : vector<16xf32>
        %swap3A_171 = arith.index_cast %sub3A_92 : i32 to index
        %swap3A_172 = arith.constant 80 : index
        %swap3A_173 = tpu.vector_load %arg9[%swap3A_171, %swap3A_172] {strides = array<i32>} : memref<320x128xf32, #tpu.memory_space<vmem>>, vector<1x16xf32>,
        %swap3A_174 = vector.shape_cast %swap3A_173 : vector<1x16xf32> to vector<16xf32>
        %swap3A_175 = vector.shape_cast %max3A_170 : vector<16xf32> to vector<1x16xf32>
        tpu.vector_store %arg9[%swap3A_171, %swap3A_172], %swap3A_175 {strides = array<i32>} : memref<320x128xf32, #tpu.memory_space<vmem>>, vector<1x16xf32>,
        %get3A_176 = arith.index_cast %sub3A_92 : i32 to index
        %get3A_177 = arith.constant 96 : index
        %get3A_178 = tpu.vector_load %arg9[%get3A_176, %get3A_177] {strides = array<i32>} : memref<320x128xf32, #tpu.memory_space<vmem>>, vector<1x16xf32>,
        %get3A_179 = vector.shape_cast %get3A_178 : vector<1x16xf32> to vector<16xf32>
        %get3A_180 = arith.index_cast %while3A_86 : i32 to index
        %get3A_181 = arith.constant 96 : index
        %get3A_182 = tpu.vector_load %arg8[%get3A_180, %get3A_181] {strides = array<i32>} : memref<128x128xf32, #tpu.memory_space<vmem>>, vector<1x16xf32>,
        %get3A_183 = vector.shape_cast %get3A_182 : vector<1x16xf32> to vector<16xf32>
        %max3A_184 = arith.maximumf %get3A_179, %get3A_183 : vector<16xf32>
        %swap3A_185 = arith.index_cast %sub3A_92 : i32 to index
        %swap3A_186 = arith.constant 96 : index
        %swap3A_187 = tpu.vector_load %arg9[%swap3A_185, %swap3A_186] {strides = array<i32>} : memref<320x128xf32, #tpu.memory_space<vmem>>, vector<1x16xf32>,
        %swap3A_188 = vector.shape_cast %swap3A_187 : vector<1x16xf32> to vector<16xf32>
        %swap3A_189 = vector.shape_cast %max3A_184 : vector<16xf32> to vector<1x16xf32>
        tpu.vector_store %arg9[%swap3A_185, %swap3A_186], %swap3A_189 {strides = array<i32>} : memref<320x128xf32, #tpu.memory_space<vmem>>, vector<1x16xf32>,
        %get3A_190 = arith.index_cast %sub3A_92 : i32 to index
        %get3A_191 = arith.constant 112 : index
        %get3A_192 = tpu.vector_load %arg9[%get3A_190, %get3A_191] {strides = array<i32>} : memref<320x128xf32, #tpu.memory_space<vmem>>, vector<1x16xf32>,
        %get3A_193 = vector.shape_cast %get3A_192 : vector<1x16xf32> to vector<16xf32>
        %get3A_194 = arith.index_cast %while3A_86 : i32 to index
        %get3A_195 = arith.constant 112 : index
        %get3A_196 = tpu.vector_load %arg8[%get3A_194, %get3A_195] {strides = array<i32>} : memref<128x128xf32, #tpu.memory_space<vmem>>, vector<1x16xf32>,
        %get3A_197 = vector.shape_cast %get3A_196 : vector<1x16xf32> to vector<16xf32>
        %max3A_198 = arith.maximumf %get3A_193, %get3A_197 : vector<16xf32>
        %swap3A_199 = arith.index_cast %sub3A_92 : i32 to index
        %swap3A_200 = arith.constant 112 : index
        %swap3A_201 = tpu.vector_load %arg9[%swap3A_199, %swap3A_200] {strides = array<i32>} : memref<320x128xf32, #tpu.memory_space<vmem>>, vector<1x16xf32>,
        %swap3A_202 = vector.shape_cast %swap3A_201 : vector<1x16xf32> to vector<16xf32>
        %swap3A_203 = vector.shape_cast %max3A_198 : vector<16xf32> to vector<1x16xf32>
        tpu.vector_store %arg9[%swap3A_199, %swap3A_200], %swap3A_203 {strides = array<i32>} : memref<320x128xf32, #tpu.memory_space<vmem>>, vector<1x16xf32>,
      }
      %while3A_85 = arith.constant 1 : i32
      scf.for %while3A_86 = %while3A_83 to %while3A_79 step %while3A_85  : i32 {
        %get3A_87 = arith.index_cast %while3A_86 : i32 to index
        %get3A_88 = tpu.vector_load %arg7[%get3A_87] {strides = array<i32>} : memref<144xi32, #tpu.memory_space<vmem>>, vector<16xi32>,
        %get3A_89 = vector.shape_cast %get3A_88 : vector<16xi32> to vector<16xi32>
        %slice3A_90 = vector.extract_strided_slice %get3A_89 {offsets = [0], sizes = [1], strides = [1]} : vector<16xi32> to vector<1xi32>
        %squeeze3A_91 = vector.extract %slice3A_90[0] : i32 from vector<1xi32>
        %sub3A_92 = arith.subi %squeeze3A_91, %mul3A_2 : i32
        %get3A_93 = arith.index_cast %sub3A_92 : i32 to index
        %get3A_94 = arith.constant 0 : index
        %get3A_95 = tpu.vector_load %arg9[%get3A_93, %get3A_94] {strides = array<i32>} : memref<320x128xf32, #tpu.memory_space<vmem>>, vector<1x16xf32>,
        %get3A_96 = vector.shape_cast %get3A_95 : vector<1x16xf32> to vector<16xf32>
        %get3A_97 = arith.index_cast %while3A_86 : i32 to index
        %get3A_98 = arith.constant 0 : index
        %get3A_99 = tpu.vector_load %arg8[%get3A_97, %get3A_98] {strides = array<i32>} : memref<128x128xf32, #tpu.memory_space<vmem>>, vector<1x16xf32>,
        %get3A_100 = vector.shape_cast %get3A_99 : vector<1x16xf32> to vector<16xf32>
        %max3A_101 = arith.maximumf %get3A_96, %get3A_100 : vector<16xf32>
        %swap3A = arith.index_cast %sub3A_92 : i32 to index
        %swap3A_102 = arith.constant 0 : index
        %swap3A_103 = tpu.vector_load %arg9[%swap3A, %swap3A_102] {strides = array<i32>} : memref<320x128xf32, #tpu.memory_space<vmem>>, vector<1x16xf32>,
        %swap3A_104 = vector.shape_cast %swap3A_103 : vector<1x16xf32> to vector<16xf32>
        %swap3A_105 = vector.shape_cast %max3A_101 : vector<16xf32> to vector<1x16xf32>
        tpu.vector_store %arg9[%swap3A, %swap3A_102], %swap3A_105 {strides = array<i32>} : memref<320x128xf32, #tpu.memory_space<vmem>>, vector<1x16xf32>,
        %get3A_106 = arith.index_cast %sub3A_92 : i32 to index
        %get3A_107 = arith.constant 16 : index
        %get3A_108 = tpu.vector_load %arg9[%get3A_106, %get3A_107] {strides = array<i32>} : memref<320x128xf32, #tpu.memory_space<vmem>>, vector<1x16xf32>,
        %get3A_109 = vector.shape_cast %get3A_108 : vector<1x16xf32> to vector<16xf32>
        %get3A_110 = arith.index_cast %while3A_86 : i32 to index
        %get3A_111 = arith.constant 16 : index
        %get3A_112 = tpu.vector_load %arg8[%get3A_110, %get3A_111] {strides = array<i32>} : memref<128x128xf32, #tpu.memory_space<vmem>>, vector<1x16xf32>,
        %get3A_113 = vector.shape_cast %get3A_112 : vector<1x16xf32> to vector<16xf32>
        %max3A_114 = arith.maximumf %get3A_109, %get3A_113 : vector<16xf32>
        %swap3A_115 = arith.index_cast %sub3A_92 : i32 to index
        %swap3A_116 = arith.constant 16 : index
        %swap3A_117 = tpu.vector_load %arg9[%swap3A_115, %swap3A_116] {strides = array<i32>} : memref<320x128xf32, #tpu.memory_space<vmem>>, vector<1x16xf32>,
        %swap3A_118 = vector.shape_cast %swap3A_117 : vector<1x16xf32> to vector<16xf32>
        %swap3A_119 = vector.shape_cast %max3A_114 : vector<16xf32> to vector<1x16xf32>
        tpu.vector_store %arg9[%swap3A_115, %swap3A_116], %swap3A_119 {strides = array<i32>} : memref<320x128xf32, #tpu.memory_space<vmem>>, vector<1x16xf32>,
        %get3A_120 = arith.index_cast %sub3A_92 : i32 to index
        %get3A_121 = arith.constant 32 : index
        %get3A_122 = tpu.vector_load %arg9[%get3A_120, %get3A_121] {strides = array<i32>} : memref<320x128xf32, #tpu.memory_space<vmem>>, vector<1x16xf32>,
        %get3A_123 = vector.shape_cast %get3A_122 : vector<1x16xf32> to vector<16xf32>
        %get3A_124 = arith.index_cast %while3A_86 : i32 to index
        %get3A_125 = arith.constant 32 : index
        %get3A_126 = tpu.vector_load %arg8[%get3A_124, %get3A_125] {strides = array<i32>} : memref<128x128xf32, #tpu.memory_space<vmem>>, vector<1x16xf32>,
        %get3A_127 = vector.shape_cast %get3A_126 : vector<1x16xf32> to vector<16xf32>
        %max3A_128 = arith.maximumf %get3A_123, %get3A_127 : vector<16xf32>
        %swap3A_129 = arith.index_cast %sub3A_92 : i32 to index
        %swap3A_130 = arith.constant 32 : index
        %swap3A_131 = tpu.vector_load %arg9[%swap3A_129, %swap3A_130] {strides = array<i32>} : memref<320x128xf32, #tpu.memory_space<vmem>>, vector<1x16xf32>,
        %swap3A_132 = vector.shape_cast %swap3A_131 : vector<1x16xf32> to vector<16xf32>
        %swap3A_133 = vector.shape_cast %max3A_128 : vector<16xf32> to vector<1x16xf32>
        tpu.vector_store %arg9[%swap3A_129, %swap3A_130], %swap3A_133 {strides = array<i32>} : memref<320x128xf32, #tpu.memory_space<vmem>>, vector<1x16xf32>,
        %get3A_134 = arith.index_cast %sub3A_92 : i32 to index
        %get3A_135 = arith.constant 48 : index
        %get3A_136 = tpu.vector_load %arg9[%get3A_134, %get3A_135] {strides = array<i32>} : memref<320x128xf32, #tpu.memory_space<vmem>>, vector<1x16xf32>,
        %get3A_137 = vector.shape_cast %get3A_136 : vector<1x16xf32> to vector<16xf32>
        %get3A_138 = arith.index_cast %while3A_86 : i32 to index
        %get3A_139 = arith.constant 48 : index
        %get3A_140 = tpu.vector_load %arg8[%get3A_138, %get3A_139] {strides = array<i32>} : memref<128x128xf32, #tpu.memory_space<vmem>>, vector<1x16xf32>,
        %get3A_141 = vector.shape_cast %get3A_140 : vector<1x16xf32> to vector<16xf32>
        %max3A_142 = arith.maximumf %get3A_137, %get3A_141 : vector<16xf32>
        %swap3A_143 = arith.index_cast %sub3A_92 : i32 to index
        %swap3A_144 = arith.constant 48 : index
        %swap3A_145 = tpu.vector_load %arg9[%swap3A_143, %swap3A_144] {strides = array<i32>} : memref<320x128xf32, #tpu.memory_space<vmem>>, vector<1x16xf32>,
        %swap3A_146 = vector.shape_cast %swap3A_145 : vector<1x16xf32> to vector<16xf32>
        %swap3A_147 = vector.shape_cast %max3A_142 : vector<16xf32> to vector<1x16xf32>
        tpu.vector_store %arg9[%swap3A_143, %swap3A_144], %swap3A_147 {strides = array<i32>} : memref<320x128xf32, #tpu.memory_space<vmem>>, vector<1x16xf32>,
        %get3A_148 = arith.index_cast %sub3A_92 : i32 to index
        %get3A_149 = arith.constant 64 : index
        %get3A_150 = tpu.vector_load %arg9[%get3A_148, %get3A_149] {strides = array<i32>} : memref<320x128xf32, #tpu.memory_space<vmem>>, vector<1x16xf32>,
        %get3A_151 = vector.shape_cast %get3A_150 : vector<1x16xf32> to vector<16xf32>
        %get3A_152 = arith.index_cast %while3A_86 : i32 to index
        %get3A_153 = arith.constant 64 : index
        %get3A_154 = tpu.vector_load %arg8[%get3A_152, %get3A_153] {strides = array<i32>} : memref<128x128xf32, #tpu.memory_space<vmem>>, vector<1x16xf32>,
        %get3A_155 = vector.shape_cast %get3A_154 : vector<1x16xf32> to vector<16xf32>
        %max3A_156 = arith.maximumf %get3A_151, %get3A_155 : vector<16xf32>
        %swap3A_157 = arith.index_cast %sub3A_92 : i32 to index
        %swap3A_158 = arith.constant 64 : index
        %swap3A_159 = tpu.vector_load %arg9[%swap3A_157, %swap3A_158] {strides = array<i32>} : memref<320x128xf32, #tpu.memory_space<vmem>>, vector<1x16xf32>,
        %swap3A_160 = vector.shape_cast %swap3A_159 : vector<1x16xf32> to vector<16xf32>
        %swap3A_161 = vector.shape_cast %max3A_156 : vector<16xf32> to vector<1x16xf32>
        tpu.vector_store %arg9[%swap3A_157, %swap3A_158], %swap3A_161 {strides = array<i32>} : memref<320x128xf32, #tpu.memory_space<vmem>>, vector<1x16xf32>,
        %get3A_162 = arith.index_cast %sub3A_92 : i32 to index
        %get3A_163 = arith.constant 80 : index
        %get3A_164 = tpu.vector_load %arg9[%get3A_162, %get3A_163] {strides = array<i32>} : memref<320x128xf32, #tpu.memory_space<vmem>>, vector<1x16xf32>,
        %get3A_165 = vector.shape_cast %get3A_164 : vector<1x16xf32> to vector<16xf32>
        %get3A_166 = arith.index_cast %while3A_86 : i32 to index
        %get3A_167 = arith.constant 80 : index
        %get3A_168 = tpu.vector_load %arg8[%get3A_166, %get3A_167] {strides = array<i32>} : memref<128x128xf32, #tpu.memory_space<vmem>>, vector<1x16xf32>,
        %get3A_169 = vector.shape_cast %get3A_168 : vector<1x16xf32> to vector<16xf32>
        %max3A_170 = arith.maximumf %get3A_165, %get3A_169 : vector<16xf32>
        %swap3A_171 = arith.index_cast %sub3A_92 : i32 to index
        %swap3A_172 = arith.constant 80 : index
        %swap3A_173 = tpu.vector_load %arg9[%swap3A_171, %swap3A_172] {strides = array<i32>} : memref<320x128xf32, #tpu.memory_space<vmem>>, vector<1x16xf32>,
        %swap3A_174 = vector.shape_cast %swap3A_173 : vector<1x16xf32> to vector<16xf32>
        %swap3A_175 = vector.shape_cast %max3A_170 : vector<16xf32> to vector<1x16xf32>
        tpu.vector_store %arg9[%swap3A_171, %swap3A_172], %swap3A_175 {strides = array<i32>} : memref<320x128xf32, #tpu.memory_space<vmem>>, vector<1x16xf32>,
        %get3A_176 = arith.index_cast %sub3A_92 : i32 to index
        %get3A_177 = arith.constant 96 : index
        %get3A_178 = tpu.vector_load %arg9[%get3A_176, %get3A_177] {strides = array<i32>} : memref<320x128xf32, #tpu.memory_space<vmem>>, vector<1x16xf32>,
        %get3A_179 = vector.shape_cast %get3A_178 : vector<1x16xf32> to vector<16xf32>
        %get3A_180 = arith.index_cast %while3A_86 : i32 to index
        %get3A_181 = arith.constant 96 : index
        %get3A_182 = tpu.vector_load %arg8[%get3A_180, %get3A_181] {strides = array<i32>} : memref<128x128xf32, #tpu.memory_space<vmem>>, vector<1x16xf32>,
        %get3A_183 = vector.shape_cast %get3A_182 : vector<1x16xf32> to vector<16xf32>
        %max3A_184 = arith.maximumf %get3A_179, %get3A_183 : vector<16xf32>
        %swap3A_185 = arith.index_cast %sub3A_92 : i32 to index
        %swap3A_186 = arith.constant 96 : index
        %swap3A_187 = tpu.vector_load %arg9[%swap3A_185, %swap3A_186] {strides = array<i32>} : memref<320x128xf32, #tpu.memory_space<vmem>>, vector<1x16xf32>,
        %swap3A_188 = vector.shape_cast %swap3A_187 : vector<1x16xf32> to vector<16xf32>
        %swap3A_189 = vector.shape_cast %max3A_184 : vector<16xf32> to vector<1x16xf32>
        tpu.vector_store %arg9[%swap3A_185, %swap3A_186], %swap3A_189 {strides = array<i32>} : memref<320x128xf32, #tpu.memory_space<vmem>>, vector<1x16xf32>,
        %get3A_190 = arith.index_cast %sub3A_92 : i32 to index
        %get3A_191 = arith.constant 112 : index
        %get3A_192 = tpu.vector_load %arg9[%get3A_190, %get3A_191] {strides = array<i32>} : memref<320x128xf32, #tpu.memory_space<vmem>>, vector<1x16xf32>,
        %get3A_193 = vector.shape_cast %get3A_192 : vector<1x16xf32> to vector<16xf32>
        %get3A_194 = arith.index_cast %while3A_86 : i32 to index
        %get3A_195 = arith.constant 112 : index
        %get3A_196 = tpu.vector_load %arg8[%get3A_194, %get3A_195] {strides = array<i32>} : memref<128x128xf32, #tpu.memory_space<vmem>>, vector<1x16xf32>,
        %get3A_197 = vector.shape_cast %get3A_196 : vector<1x16xf32> to vector<16xf32>
        %max3A_198 = arith.maximumf %get3A_193, %get3A_197 : vector<16xf32>
        %swap3A_199 = arith.index_cast %sub3A_92 : i32 to index
        %swap3A_200 = arith.constant 112 : index
        %swap3A_201 = tpu.vector_load %arg9[%swap3A_199, %swap3A_200] {strides = array<i32>} : memref<320x128xf32, #tpu.memory_space<vmem>>, vector<1x16xf32>,
        %swap3A_202 = vector.shape_cast %swap3A_201 : vector<1x16xf32> to vector<16xf32>
        %swap3A_203 = vector.shape_cast %max3A_198 : vector<16xf32> to vector<1x16xf32>
        tpu.vector_store %arg9[%swap3A_199, %swap3A_200], %swap3A_203 {strides = array<i32>} : memref<320x128xf32, #tpu.memory_space<vmem>>, vector<1x16xf32>,
      }
    }
    %while3A_68 = arith.constant 1 : i32
    scf.for %while3A_69 = %while3A_66 to %while3A_62 step %while3A_68  : i32 {
      %mul3A_70 = arith.constant 128 : i32
      %mul3A_71 = arith.muli %while3A_69, %mul3A_70 : i32
      %add3A_72 = arith.addi %mul3A_30, %mul3A_71 : i32
      "tpu.region"() ({
        %run_scoped3A = tpu.sem_alloc : memref<!tpu.dma_semaphore, #tpu.memory_space<semaphore_mem>>
        %dma_start3A = arith.constant 0 : i32
        %dma_start3A_86 = tpu.memref_slice %arg7[%dma_start3A] : memref<144xi32, #tpu.memory_space<vmem>> -> memref<128xi32, #tpu.memory_space<vmem>>
        %dma_start3A_87 = tpu.memref_slice %arg3[%add3A_72] : memref<327680xi32, #tpu.memory_space<hbm>> -> memref<128xi32, #tpu.memory_space<hbm>>
        %dma_start3A_88 = arith.constant 0 : i32
        %dma_start3A_89 = tpu.memref_slice %arg7[%dma_start3A_88] : memref<144xi32, #tpu.memory_space<vmem>> -> memref<128xi32, #tpu.memory_space<vmem>>
        %dma_start3A_90 = tpu.memref_slice %arg3[%add3A_72] : memref<327680xi32, #tpu.memory_space<hbm>> -> memref<128xi32, #tpu.memory_space<hbm>>
        tpu.enqueue_dma source(%dma_start3A_90 : memref<128xi32, #tpu.memory_space<hbm>>) target(%dma_start3A_89 : memref<128xi32, #tpu.memory_space<vmem>>) target_semaphore(%run_scoped3A : memref<!tpu.dma_semaphore, #tpu.memory_space<semaphore_mem>>)
        %dma_wait3A = arith.constant 0 : i32
        %dma_wait3A_91 = tpu.memref_slice %arg7[%dma_wait3A] : memref<144xi32, #tpu.memory_space<vmem>> -> memref<128xi32, #tpu.memory_space<vmem>>
        %dma_wait3A_92 = tpu.memref_slice %arg3[%add3A_72] : memref<327680xi32, #tpu.memory_space<hbm>> -> memref<128xi32, #tpu.memory_space<hbm>>
        %dma_wait3A_93 = arith.constant 0 : i32
        %dma_wait3A_94 = tpu.memref_slice %arg7[%dma_wait3A_93] : memref<144xi32, #tpu.memory_space<vmem>> -> memref<128xi32, #tpu.memory_space<vmem>>
        %dma_wait3A_95 = tpu.memref_slice %arg3[%add3A_72] : memref<327680xi32, #tpu.memory_space<hbm>> -> memref<128xi32, #tpu.memory_space<hbm>>
        tpu.wait_dma2 semaphore(%run_scoped3A : memref<!tpu.dma_semaphore, #tpu.memory_space<semaphore_mem>>) src(%dma_wait3A_95 : memref<128xi32, #tpu.memory_space<hbm>>) dst(%dma_wait3A_94 : memref<128xi32, #tpu.memory_space<vmem>>)
        tpu.yield
      }) : () -> ()
      "tpu.region"() ({
        %run_scoped3A = tpu.sem_alloc : memref<!tpu.dma_semaphore, #tpu.memory_space<semaphore_mem>>
        %dma_start3A = arith.constant 0 : i32
        %dma_start3A_86 = tpu.memref_slice %arg2[%add3A_72, %dma_start3A] : memref<327680x128xf32, #tpu.memory_space<hbm>> -> memref<128x128xf32, #tpu.memory_space<hbm>>
        %dma_start3A_87 = arith.constant 0 : i32
        %dma_start3A_88 = tpu.memref_slice %arg2[%add3A_72, %dma_start3A_87] : memref<327680x128xf32, #tpu.memory_space<hbm>> -> memref<128x128xf32, #tpu.memory_space<hbm>>
        tpu.enqueue_dma source(%dma_start3A_88 : memref<128x128xf32, #tpu.memory_space<hbm>>) target(%arg8 : memref<128x128xf32, #tpu.memory_space<vmem>>) target_semaphore(%run_scoped3A : memref<!tpu.dma_semaphore, #tpu.memory_space<semaphore_mem>>)
        %dma_wait3A = arith.constant 0 : i32
        %dma_wait3A_89 = tpu.memref_slice %arg2[%add3A_72, %dma_wait3A] : memref<327680x128xf32, #tpu.memory_space<hbm>> -> memref<128x128xf32, #tpu.memory_space<hbm>>
        %dma_wait3A_90 = arith.constant 0 : i32
        %dma_wait3A_91 = tpu.memref_slice %arg2[%add3A_72, %dma_wait3A_90] : memref<327680x128xf32, #tpu.memory_space<hbm>> -> memref<128x128xf32, #tpu.memory_space<hbm>>
        tpu.wait_dma2 semaphore(%run_scoped3A : memref<!tpu.dma_semaphore, #tpu.memory_space<semaphore_mem>>) src(%dma_wait3A_91 : memref<128x128xf32, #tpu.memory_space<hbm>>) dst(%arg8 : memref<128x128xf32, #tpu.memory_space<vmem>>)
        tpu.yield
      }) : () -> ()
      %sub3A_73 = arith.subi %squeeze3A, %add3A_72 : i32
      %max3A = arith.constant 0 : i32
      %max3A_74 = arith.maxsi %max3A, %sub3A_73 : i32
      %sub3A_75 = arith.subi %squeeze3A_6, %add3A_72 : i32
      %min3A = arith.constant 128 : i32
      %min3A_76 = arith.minsi %min3A, %sub3A_75 : i32
      %while3A_77 = arith.constant 0 : i32
      %while3A_78 = arith.subi %min3A_76, %max3A_74 : i32
      %while3A_79 = arith.addi %max3A_74, %while3A_78 : i32
      %while3A_80 = arith.constant 1 : i32
      %while3A_81 = arith.divsi %while3A_78, %while3A_80 : i32
      %while3A_82 = arith.muli %while3A_81, %while3A_80 : i32
      %while3A_83 = arith.addi %max3A_74, %while3A_82 : i32
      %while3A_84 = arith.constant 1 : i32
      scf.for %while3A_86 = %max3A_74 to %while3A_83 step %while3A_84  : i32 {
        %get3A_87 = arith.index_cast %while3A_86 : i32 to index
        %get3A_88 = tpu.vector_load %arg7[%get3A_87] {strides = array<i32>} : memref<144xi32, #tpu.memory_space<vmem>>, vector<16xi32>,
        %get3A_89 = vector.shape_cast %get3A_88 : vector<16xi32> to vector<16xi32>
        %slice3A_90 = vector.extract_strided_slice %get3A_89 {offsets = [0], sizes = [1], strides = [1]} : vector<16xi32> to vector<1xi32>
        %squeeze3A_91 = vector.extract %slice3A_90[0] : i32 from vector<1xi32>
        %sub3A_92 = arith.subi %squeeze3A_91, %mul3A_2 : i32
        %get3A_93 = arith.index_cast %sub3A_92 : i32 to index
        %get3A_94 = arith.constant 0 : index
        %get3A_95 = tpu.vector_load %arg9[%get3A_93, %get3A_94] {strides = array<i32>} : memref<320x128xf32, #tpu.memory_space<vmem>>, vector<1x16xf32>,
        %get3A_96 = vector.shape_cast %get3A_95 : vector<1x16xf32> to vector<16xf32>
        %get3A_97 = arith.index_cast %while3A_86 : i32 to index
        %get3A_98 = arith.constant 0 : index
        %get3A_99 = tpu.vector_load %arg8[%get3A_97, %get3A_98] {strides = array<i32>} : memref<128x128xf32, #tpu.memory_space<vmem>>, vector<1x16xf32>,
        %get3A_100 = vector.shape_cast %get3A_99 : vector<1x16xf32> to vector<16xf32>
        %max3A_101 = arith.maximumf %get3A_96, %get3A_100 : vector<16xf32>
        %swap3A = arith.index_cast %sub3A_92 : i32 to index
        %swap3A_102 = arith.constant 0 : index
        %swap3A_103 = tpu.vector_load %arg9[%swap3A, %swap3A_102] {strides = array<i32>} : memref<320x128xf32, #tpu.memory_space<vmem>>, vector<1x16xf32>,
        %swap3A_104 = vector.shape_cast %swap3A_103 : vector<1x16xf32> to vector<16xf32>
        %swap3A_105 = vector.shape_cast %max3A_101 : vector<16xf32> to vector<1x16xf32>
        tpu.vector_store %arg9[%swap3A, %swap3A_102], %swap3A_105 {strides = array<i32>} : memref<320x128xf32, #tpu.memory_space<vmem>>, vector<1x16xf32>,
        %get3A_106 = arith.index_cast %sub3A_92 : i32 to index
        %get3A_107 = arith.constant 16 : index
        %get3A_108 = tpu.vector_load %arg9[%get3A_106, %get3A_107] {strides = array<i32>} : memref<320x128xf32, #tpu.memory_space<vmem>>, vector<1x16xf32>,
        %get3A_109 = vector.shape_cast %get3A_108 : vector<1x16xf32> to vector<16xf32>
        %get3A_110 = arith.index_cast %while3A_86 : i32 to index
        %get3A_111 = arith.constant 16 : index
        %get3A_112 = tpu.vector_load %arg8[%get3A_110, %get3A_111] {strides = array<i32>} : memref<128x128xf32, #tpu.memory_space<vmem>>, vector<1x16xf32>,
        %get3A_113 = vector.shape_cast %get3A_112 : vector<1x16xf32> to vector<16xf32>
        %max3A_114 = arith.maximumf %get3A_109, %get3A_113 : vector<16xf32>
        %swap3A_115 = arith.index_cast %sub3A_92 : i32 to index
        %swap3A_116 = arith.constant 16 : index
        %swap3A_117 = tpu.vector_load %arg9[%swap3A_115, %swap3A_116] {strides = array<i32>} : memref<320x128xf32, #tpu.memory_space<vmem>>, vector<1x16xf32>,
        %swap3A_118 = vector.shape_cast %swap3A_117 : vector<1x16xf32> to vector<16xf32>
        %swap3A_119 = vector.shape_cast %max3A_114 : vector<16xf32> to vector<1x16xf32>
        tpu.vector_store %arg9[%swap3A_115, %swap3A_116], %swap3A_119 {strides = array<i32>} : memref<320x128xf32, #tpu.memory_space<vmem>>, vector<1x16xf32>,
        %get3A_120 = arith.index_cast %sub3A_92 : i32 to index
        %get3A_121 = arith.constant 32 : index
        %get3A_122 = tpu.vector_load %arg9[%get3A_120, %get3A_121] {strides = array<i32>} : memref<320x128xf32, #tpu.memory_space<vmem>>, vector<1x16xf32>,
        %get3A_123 = vector.shape_cast %get3A_122 : vector<1x16xf32> to vector<16xf32>
        %get3A_124 = arith.index_cast %while3A_86 : i32 to index
        %get3A_125 = arith.constant 32 : index
        %get3A_126 = tpu.vector_load %arg8[%get3A_124, %get3A_125] {strides = array<i32>} : memref<128x128xf32, #tpu.memory_space<vmem>>, vector<1x16xf32>,
        %get3A_127 = vector.shape_cast %get3A_126 : vector<1x16xf32> to vector<16xf32>
        %max3A_128 = arith.maximumf %get3A_123, %get3A_127 : vector<16xf32>
        %swap3A_129 = arith.index_cast %sub3A_92 : i32 to index
        %swap3A_130 = arith.constant 32 : index
        %swap3A_131 = tpu.vector_load %arg9[%swap3A_129, %swap3A_130] {strides = array<i32>} : memref<320x128xf32, #tpu.memory_space<vmem>>, vector<1x16xf32>,
        %swap3A_132 = vector.shape_cast %swap3A_131 : vector<1x16xf32> to vector<16xf32>
        %swap3A_133 = vector.shape_cast %max3A_128 : vector<16xf32> to vector<1x16xf32>
        tpu.vector_store %arg9[%swap3A_129, %swap3A_130], %swap3A_133 {strides = array<i32>} : memref<320x128xf32, #tpu.memory_space<vmem>>, vector<1x16xf32>,
        %get3A_134 = arith.index_cast %sub3A_92 : i32 to index
        %get3A_135 = arith.constant 48 : index
        %get3A_136 = tpu.vector_load %arg9[%get3A_134, %get3A_135] {strides = array<i32>} : memref<320x128xf32, #tpu.memory_space<vmem>>, vector<1x16xf32>,
        %get3A_137 = vector.shape_cast %get3A_136 : vector<1x16xf32> to vector<16xf32>
        %get3A_138 = arith.index_cast %while3A_86 : i32 to index
        %get3A_139 = arith.constant 48 : index
        %get3A_140 = tpu.vector_load %arg8[%get3A_138, %get3A_139] {strides = array<i32>} : memref<128x128xf32, #tpu.memory_space<vmem>>, vector<1x16xf32>,
        %get3A_141 = vector.shape_cast %get3A_140 : vector<1x16xf32> to vector<16xf32>
        %max3A_142 = arith.maximumf %get3A_137, %get3A_141 : vector<16xf32>
        %swap3A_143 = arith.index_cast %sub3A_92 : i32 to index
        %swap3A_144 = arith.constant 48 : index
        %swap3A_145 = tpu.vector_load %arg9[%swap3A_143, %swap3A_144] {strides = array<i32>} : memref<320x128xf32, #tpu.memory_space<vmem>>, vector<1x16xf32>,
        %swap3A_146 = vector.shape_cast %swap3A_145 : vector<1x16xf32> to vector<16xf32>
        %swap3A_147 = vector.shape_cast %max3A_142 : vector<16xf32> to vector<1x16xf32>
        tpu.vector_store %arg9[%swap3A_143, %swap3A_144], %swap3A_147 {strides = array<i32>} : memref<320x128xf32, #tpu.memory_space<vmem>>, vector<1x16xf32>,
        %get3A_148 = arith.index_cast %sub3A_92 : i32 to index
        %get3A_149 = arith.constant 64 : index
        %get3A_150 = tpu.vector_load %arg9[%get3A_148, %get3A_149] {strides = array<i32>} : memref<320x128xf32, #tpu.memory_space<vmem>>, vector<1x16xf32>,
        %get3A_151 = vector.shape_cast %get3A_150 : vector<1x16xf32> to vector<16xf32>
        %get3A_152 = arith.index_cast %while3A_86 : i32 to index
        %get3A_153 = arith.constant 64 : index
        %get3A_154 = tpu.vector_load %arg8[%get3A_152, %get3A_153] {strides = array<i32>} : memref<128x128xf32, #tpu.memory_space<vmem>>, vector<1x16xf32>,
        %get3A_155 = vector.shape_cast %get3A_154 : vector<1x16xf32> to vector<16xf32>
        %max3A_156 = arith.maximumf %get3A_151, %get3A_155 : vector<16xf32>
        %swap3A_157 = arith.index_cast %sub3A_92 : i32 to index
        %swap3A_158 = arith.constant 64 : index
        %swap3A_159 = tpu.vector_load %arg9[%swap3A_157, %swap3A_158] {strides = array<i32>} : memref<320x128xf32, #tpu.memory_space<vmem>>, vector<1x16xf32>,
        %swap3A_160 = vector.shape_cast %swap3A_159 : vector<1x16xf32> to vector<16xf32>
        %swap3A_161 = vector.shape_cast %max3A_156 : vector<16xf32> to vector<1x16xf32>
        tpu.vector_store %arg9[%swap3A_157, %swap3A_158], %swap3A_161 {strides = array<i32>} : memref<320x128xf32, #tpu.memory_space<vmem>>, vector<1x16xf32>,
        %get3A_162 = arith.index_cast %sub3A_92 : i32 to index
        %get3A_163 = arith.constant 80 : index
        %get3A_164 = tpu.vector_load %arg9[%get3A_162, %get3A_163] {strides = array<i32>} : memref<320x128xf32, #tpu.memory_space<vmem>>, vector<1x16xf32>,
        %get3A_165 = vector.shape_cast %get3A_164 : vector<1x16xf32> to vector<16xf32>
        %get3A_166 = arith.index_cast %while3A_86 : i32 to index
        %get3A_167 = arith.constant 80 : index
        %get3A_168 = tpu.vector_load %arg8[%get3A_166, %get3A_167] {strides = array<i32>} : memref<128x128xf32, #tpu.memory_space<vmem>>, vector<1x16xf32>,
        %get3A_169 = vector.shape_cast %get3A_168 : vector<1x16xf32> to vector<16xf32>
        %max3A_170 = arith.maximumf %get3A_165, %get3A_169 : vector<16xf32>
        %swap3A_171 = arith.index_cast %sub3A_92 : i32 to index
        %swap3A_172 = arith.constant 80 : index
        %swap3A_173 = tpu.vector_load %arg9[%swap3A_171, %swap3A_172] {strides = array<i32>} : memref<320x128xf32, #tpu.memory_space<vmem>>, vector<1x16xf32>,
        %swap3A_174 = vector.shape_cast %swap3A_173 : vector<1x16xf32> to vector<16xf32>
        %swap3A_175 = vector.shape_cast %max3A_170 : vector<16xf32> to vector<1x16xf32>
        tpu.vector_store %arg9[%swap3A_171, %swap3A_172], %swap3A_175 {strides = array<i32>} : memref<320x128xf32, #tpu.memory_space<vmem>>, vector<1x16xf32>,
        %get3A_176 = arith.index_cast %sub3A_92 : i32 to index
        %get3A_177 = arith.constant 96 : index
        %get3A_178 = tpu.vector_load %arg9[%get3A_176, %get3A_177] {strides = array<i32>} : memref<320x128xf32, #tpu.memory_space<vmem>>, vector<1x16xf32>,
        %get3A_179 = vector.shape_cast %get3A_178 : vector<1x16xf32> to vector<16xf32>
        %get3A_180 = arith.index_cast %while3A_86 : i32 to index
        %get3A_181 = arith.constant 96 : index
        %get3A_182 = tpu.vector_load %arg8[%get3A_180, %get3A_181] {strides = array<i32>} : memref<128x128xf32, #tpu.memory_space<vmem>>, vector<1x16xf32>,
        %get3A_183 = vector.shape_cast %get3A_182 : vector<1x16xf32> to vector<16xf32>
        %max3A_184 = arith.maximumf %get3A_179, %get3A_183 : vector<16xf32>
        %swap3A_185 = arith.index_cast %sub3A_92 : i32 to index
        %swap3A_186 = arith.constant 96 : index
        %swap3A_187 = tpu.vector_load %arg9[%swap3A_185, %swap3A_186] {strides = array<i32>} : memref<320x128xf32, #tpu.memory_space<vmem>>, vector<1x16xf32>,
        %swap3A_188 = vector.shape_cast %swap3A_187 : vector<1x16xf32> to vector<16xf32>
        %swap3A_189 = vector.shape_cast %max3A_184 : vector<16xf32> to vector<1x16xf32>
        tpu.vector_store %arg9[%swap3A_185, %swap3A_186], %swap3A_189 {strides = array<i32>} : memref<320x128xf32, #tpu.memory_space<vmem>>, vector<1x16xf32>,
        %get3A_190 = arith.index_cast %sub3A_92 : i32 to index
        %get3A_191 = arith.constant 112 : index
        %get3A_192 = tpu.vector_load %arg9[%get3A_190, %get3A_191] {strides = array<i32>} : memref<320x128xf32, #tpu.memory_space<vmem>>, vector<1x16xf32>,
        %get3A_193 = vector.shape_cast %get3A_192 : vector<1x16xf32> to vector<16xf32>
        %get3A_194 = arith.index_cast %while3A_86 : i32 to index
        %get3A_195 = arith.constant 112 : index
        %get3A_196 = tpu.vector_load %arg8[%get3A_194, %get3A_195] {strides = array<i32>} : memref<128x128xf32, #tpu.memory_space<vmem>>, vector<1x16xf32>,
        %get3A_197 = vector.shape_cast %get3A_196 : vector<1x16xf32> to vector<16xf32>
        %max3A_198 = arith.maximumf %get3A_193, %get3A_197 : vector<16xf32>
        %swap3A_199 = arith.index_cast %sub3A_92 : i32 to index
        %swap3A_200 = arith.constant 112 : index
        %swap3A_201 = tpu.vector_load %arg9[%swap3A_199, %swap3A_200] {strides = array<i32>} : memref<320x128xf32, #tpu.memory_space<vmem>>, vector<1x16xf32>,
        %swap3A_202 = vector.shape_cast %swap3A_201 : vector<1x16xf32> to vector<16xf32>
        %swap3A_203 = vector.shape_cast %max3A_198 : vector<16xf32> to vector<1x16xf32>
        tpu.vector_store %arg9[%swap3A_199, %swap3A_200], %swap3A_203 {strides = array<i32>} : memref<320x128xf32, #tpu.memory_space<vmem>>, vector<1x16xf32>,
      }
      %while3A_85 = arith.constant 1 : i32
      scf.for %while3A_86 = %while3A_83 to %while3A_79 step %while3A_85  : i32 {
        %get3A_87 = arith.index_cast %while3A_86 : i32 to index
        %get3A_88 = tpu.vector_load %arg7[%get3A_87] {strides = array<i32>} : memref<144xi32, #tpu.memory_space<vmem>>, vector<16xi32>,
        %get3A_89 = vector.shape_cast %get3A_88 : vector<16xi32> to vector<16xi32>
        %slice3A_90 = vector.extract_strided_slice %get3A_89 {offsets = [0], sizes = [1], strides = [1]} : vector<16xi32> to vector<1xi32>
        %squeeze3A_91 = vector.extract %slice3A_90[0] : i32 from vector<1xi32>
        %sub3A_92 = arith.subi %squeeze3A_91, %mul3A_2 : i32
        %get3A_93 = arith.index_cast %sub3A_92 : i32 to index
        %get3A_94 = arith.constant 0 : index
        %get3A_95 = tpu.vector_load %arg9[%get3A_93, %get3A_94] {strides = array<i32>} : memref<320x128xf32, #tpu.memory_space<vmem>>, vector<1x16xf32>,
        %get3A_96 = vector.shape_cast %get3A_95 : vector<1x16xf32> to vector<16xf32>
        %get3A_97 = arith.index_cast %while3A_86 : i32 to index
        %get3A_98 = arith.constant 0 : index
        %get3A_99 = tpu.vector_load %arg8[%get3A_97, %get3A_98] {strides = array<i32>} : memref<128x128xf32, #tpu.memory_space<vmem>>, vector<1x16xf32>,
        %get3A_100 = vector.shape_cast %get3A_99 : vector<1x16xf32> to vector<16xf32>
        %max3A_101 = arith.maximumf %get3A_96, %get3A_100 : vector<16xf32>
        %swap3A = arith.index_cast %sub3A_92 : i32 to index
        %swap3A_102 = arith.constant 0 : index
        %swap3A_103 = tpu.vector_load %arg9[%swap3A, %swap3A_102] {strides = array<i32>} : memref<320x128xf32, #tpu.memory_space<vmem>>, vector<1x16xf32>,
        %swap3A_104 = vector.shape_cast %swap3A_103 : vector<1x16xf32> to vector<16xf32>
        %swap3A_105 = vector.shape_cast %max3A_101 : vector<16xf32> to vector<1x16xf32>
        tpu.vector_store %arg9[%swap3A, %swap3A_102], %swap3A_105 {strides = array<i32>} : memref<320x128xf32, #tpu.memory_space<vmem>>, vector<1x16xf32>,
        %get3A_106 = arith.index_cast %sub3A_92 : i32 to index
        %get3A_107 = arith.constant 16 : index
        %get3A_108 = tpu.vector_load %arg9[%get3A_106, %get3A_107] {strides = array<i32>} : memref<320x128xf32, #tpu.memory_space<vmem>>, vector<1x16xf32>,
        %get3A_109 = vector.shape_cast %get3A_108 : vector<1x16xf32> to vector<16xf32>
        %get3A_110 = arith.index_cast %while3A_86 : i32 to index
        %get3A_111 = arith.constant 16 : index
        %get3A_112 = tpu.vector_load %arg8[%get3A_110, %get3A_111] {strides = array<i32>} : memref<128x128xf32, #tpu.memory_space<vmem>>, vector<1x16xf32>,
        %get3A_113 = vector.shape_cast %get3A_112 : vector<1x16xf32> to vector<16xf32>
        %max3A_114 = arith.maximumf %get3A_109, %get3A_113 : vector<16xf32>
        %swap3A_115 = arith.index_cast %sub3A_92 : i32 to index
        %swap3A_116 = arith.constant 16 : index
        %swap3A_117 = tpu.vector_load %arg9[%swap3A_115, %swap3A_116] {strides = array<i32>} : memref<320x128xf32, #tpu.memory_space<vmem>>, vector<1x16xf32>,
        %swap3A_118 = vector.shape_cast %swap3A_117 : vector<1x16xf32> to vector<16xf32>
        %swap3A_119 = vector.shape_cast %max3A_114 : vector<16xf32> to vector<1x16xf32>
        tpu.vector_store %arg9[%swap3A_115, %swap3A_116], %swap3A_119 {strides = array<i32>} : memref<320x128xf32, #tpu.memory_space<vmem>>, vector<1x16xf32>,
        %get3A_120 = arith.index_cast %sub3A_92 : i32 to index
        %get3A_121 = arith.constant 32 : index
        %get3A_122 = tpu.vector_load %arg9[%get3A_120, %get3A_121] {strides = array<i32>} : memref<320x128xf32, #tpu.memory_space<vmem>>, vector<1x16xf32>,
        %get3A_123 = vector.shape_cast %get3A_122 : vector<1x16xf32> to vector<16xf32>
        %get3A_124 = arith.index_cast %while3A_86 : i32 to index
        %get3A_125 = arith.constant 32 : index
        %get3A_126 = tpu.vector_load %arg8[%get3A_124, %get3A_125] {strides = array<i32>} : memref<128x128xf32, #tpu.memory_space<vmem>>, vector<1x16xf32>,
        %get3A_127 = vector.shape_cast %get3A_126 : vector<1x16xf32> to vector<16xf32>
        %max3A_128 = arith.maximumf %get3A_123, %get3A_127 : vector<16xf32>
        %swap3A_129 = arith.index_cast %sub3A_92 : i32 to index
        %swap3A_130 = arith.constant 32 : index
        %swap3A_131 = tpu.vector_load %arg9[%swap3A_129, %swap3A_130] {strides = array<i32>} : memref<320x128xf32, #tpu.memory_space<vmem>>, vector<1x16xf32>,
        %swap3A_132 = vector.shape_cast %swap3A_131 : vector<1x16xf32> to vector<16xf32>
        %swap3A_133 = vector.shape_cast %max3A_128 : vector<16xf32> to vector<1x16xf32>
        tpu.vector_store %arg9[%swap3A_129, %swap3A_130], %swap3A_133 {strides = array<i32>} : memref<320x128xf32, #tpu.memory_space<vmem>>, vector<1x16xf32>,
        %get3A_134 = arith.index_cast %sub3A_92 : i32 to index
        %get3A_135 = arith.constant 48 : index
        %get3A_136 = tpu.vector_load %arg9[%get3A_134, %get3A_135] {strides = array<i32>} : memref<320x128xf32, #tpu.memory_space<vmem>>, vector<1x16xf32>,
        %get3A_137 = vector.shape_cast %get3A_136 : vector<1x16xf32> to vector<16xf32>
        %get3A_138 = arith.index_cast %while3A_86 : i32 to index
        %get3A_139 = arith.constant 48 : index
        %get3A_140 = tpu.vector_load %arg8[%get3A_138, %get3A_139] {strides = array<i32>} : memref<128x128xf32, #tpu.memory_space<vmem>>, vector<1x16xf32>,
        %get3A_141 = vector.shape_cast %get3A_140 : vector<1x16xf32> to vector<16xf32>
        %max3A_142 = arith.maximumf %get3A_137, %get3A_141 : vector<16xf32>
        %swap3A_143 = arith.index_cast %sub3A_92 : i32 to index
        %swap3A_144 = arith.constant 48 : index
        %swap3A_145 = tpu.vector_load %arg9[%swap3A_143, %swap3A_144] {strides = array<i32>} : memref<320x128xf32, #tpu.memory_space<vmem>>, vector<1x16xf32>,
        %swap3A_146 = vector.shape_cast %swap3A_145 : vector<1x16xf32> to vector<16xf32>
        %swap3A_147 = vector.shape_cast %max3A_142 : vector<16xf32> to vector<1x16xf32>
        tpu.vector_store %arg9[%swap3A_143, %swap3A_144], %swap3A_147 {strides = array<i32>} : memref<320x128xf32, #tpu.memory_space<vmem>>, vector<1x16xf32>,
        %get3A_148 = arith.index_cast %sub3A_92 : i32 to index
        %get3A_149 = arith.constant 64 : index
        %get3A_150 = tpu.vector_load %arg9[%get3A_148, %get3A_149] {strides = array<i32>} : memref<320x128xf32, #tpu.memory_space<vmem>>, vector<1x16xf32>,
        %get3A_151 = vector.shape_cast %get3A_150 : vector<1x16xf32> to vector<16xf32>
        %get3A_152 = arith.index_cast %while3A_86 : i32 to index
        %get3A_153 = arith.constant 64 : index
        %get3A_154 = tpu.vector_load %arg8[%get3A_152, %get3A_153] {strides = array<i32>} : memref<128x128xf32, #tpu.memory_space<vmem>>, vector<1x16xf32>,
        %get3A_155 = vector.shape_cast %get3A_154 : vector<1x16xf32> to vector<16xf32>
        %max3A_156 = arith.maximumf %get3A_151, %get3A_155 : vector<16xf32>
        %swap3A_157 = arith.index_cast %sub3A_92 : i32 to index
        %swap3A_158 = arith.constant 64 : index
        %swap3A_159 = tpu.vector_load %arg9[%swap3A_157, %swap3A_158] {strides = array<i32>} : memref<320x128xf32, #tpu.memory_space<vmem>>, vector<1x16xf32>,
        %swap3A_160 = vector.shape_cast %swap3A_159 : vector<1x16xf32> to vector<16xf32>
        %swap3A_161 = vector.shape_cast %max3A_156 : vector<16xf32> to vector<1x16xf32>
        tpu.vector_store %arg9[%swap3A_157, %swap3A_158], %swap3A_161 {strides = array<i32>} : memref<320x128xf32, #tpu.memory_space<vmem>>, vector<1x16xf32>,
        %get3A_162 = arith.index_cast %sub3A_92 : i32 to index
        %get3A_163 = arith.constant 80 : index
        %get3A_164 = tpu.vector_load %arg9[%get3A_162, %get3A_163] {strides = array<i32>} : memref<320x128xf32, #tpu.memory_space<vmem>>, vector<1x16xf32>,
        %get3A_165 = vector.shape_cast %get3A_164 : vector<1x16xf32> to vector<16xf32>
        %get3A_166 = arith.index_cast %while3A_86 : i32 to index
        %get3A_167 = arith.constant 80 : index
        %get3A_168 = tpu.vector_load %arg8[%get3A_166, %get3A_167] {strides = array<i32>} : memref<128x128xf32, #tpu.memory_space<vmem>>, vector<1x16xf32>,
        %get3A_169 = vector.shape_cast %get3A_168 : vector<1x16xf32> to vector<16xf32>
        %max3A_170 = arith.maximumf %get3A_165, %get3A_169 : vector<16xf32>
        %swap3A_171 = arith.index_cast %sub3A_92 : i32 to index
        %swap3A_172 = arith.constant 80 : index
        %swap3A_173 = tpu.vector_load %arg9[%swap3A_171, %swap3A_172] {strides = array<i32>} : memref<320x128xf32, #tpu.memory_space<vmem>>, vector<1x16xf32>,
        %swap3A_174 = vector.shape_cast %swap3A_173 : vector<1x16xf32> to vector<16xf32>
        %swap3A_175 = vector.shape_cast %max3A_170 : vector<16xf32> to vector<1x16xf32>
        tpu.vector_store %arg9[%swap3A_171, %swap3A_172], %swap3A_175 {strides = array<i32>} : memref<320x128xf32, #tpu.memory_space<vmem>>, vector<1x16xf32>,
        %get3A_176 = arith.index_cast %sub3A_92 : i32 to index
        %get3A_177 = arith.constant 96 : index
        %get3A_178 = tpu.vector_load %arg9[%get3A_176, %get3A_177] {strides = array<i32>} : memref<320x128xf32, #tpu.memory_space<vmem>>, vector<1x16xf32>,
        %get3A_179 = vector.shape_cast %get3A_178 : vector<1x16xf32> to vector<16xf32>
        %get3A_180 = arith.index_cast %while3A_86 : i32 to index
        %get3A_181 = arith.constant 96 : index
        %get3A_182 = tpu.vector_load %arg8[%get3A_180, %get3A_181] {strides = array<i32>} : memref<128x128xf32, #tpu.memory_space<vmem>>, vector<1x16xf32>,
        %get3A_183 = vector.shape_cast %get3A_182 : vector<1x16xf32> to vector<16xf32>
        %max3A_184 = arith.maximumf %get3A_179, %get3A_183 : vector<16xf32>
        %swap3A_185 = arith.index_cast %sub3A_92 : i32 to index
        %swap3A_186 = arith.constant 96 : index
        %swap3A_187 = tpu.vector_load %arg9[%swap3A_185, %swap3A_186] {strides = array<i32>} : memref<320x128xf32, #tpu.memory_space<vmem>>, vector<1x16xf32>,
        %swap3A_188 = vector.shape_cast %swap3A_187 : vector<1x16xf32> to vector<16xf32>
        %swap3A_189 = vector.shape_cast %max3A_184 : vector<16xf32> to vector<1x16xf32>
        tpu.vector_store %arg9[%swap3A_185, %swap3A_186], %swap3A_189 {strides = array<i32>} : memref<320x128xf32, #tpu.memory_space<vmem>>, vector<1x16xf32>,
        %get3A_190 = arith.index_cast %sub3A_92 : i32 to index
        %get3A_191 = arith.constant 112 : index
        %get3A_192 = tpu.vector_load %arg9[%get3A_190, %get3A_191] {strides = array<i32>} : memref<320x128xf32, #tpu.memory_space<vmem>>, vector<1x16xf32>,
        %get3A_193 = vector.shape_cast %get3A_192 : vector<1x16xf32> to vector<16xf32>
        %get3A_194 = arith.index_cast %while3A_86 : i32 to index
        %get3A_195 = arith.constant 112 : index
        %get3A_196 = tpu.vector_load %arg8[%get3A_194, %get3A_195] {strides = array<i32>} : memref<128x128xf32, #tpu.memory_space<vmem>>, vector<1x16xf32>,
        %get3A_197 = vector.shape_cast %get3A_196 : vector<1x16xf32> to vector<16xf32>
        %max3A_198 = arith.maximumf %get3A_193, %get3A_197 : vector<16xf32>
        %swap3A_199 = arith.index_cast %sub3A_92 : i32 to index
        %swap3A_200 = arith.constant 112 : index
        %swap3A_201 = tpu.vector_load %arg9[%swap3A_199, %swap3A_200] {strides = array<i32>} : memref<320x128xf32, #tpu.memory_space<vmem>>, vector<1x16xf32>,
        %swap3A_202 = vector.shape_cast %swap3A_201 : vector<1x16xf32> to vector<16xf32>
        %swap3A_203 = vector.shape_cast %max3A_198 : vector<16xf32> to vector<1x16xf32>
        tpu.vector_store %arg9[%swap3A_199, %swap3A_200], %swap3A_203 {strides = array<i32>} : memref<320x128xf32, #tpu.memory_space<vmem>>, vector<1x16xf32>,
      }
    }
    "tpu.region"() ({
      %run_scoped3A = tpu.sem_alloc : memref<!tpu.dma_semaphore, #tpu.memory_space<semaphore_mem>>
      %dma_start3A = arith.constant 0 : i32
      %dma_start3A_69 = tpu.memref_slice %arg5[%mul3A_2, %dma_start3A] : memref<10240x128xf32, #tpu.memory_space<hbm>> -> memref<320x128xf32, #tpu.memory_space<hbm>>
      %dma_start3A_70 = arith.constant 0 : i32
      %dma_start3A_71 = tpu.memref_slice %arg5[%mul3A_2, %dma_start3A_70] : memref<10240x128xf32, #tpu.memory_space<hbm>> -> memref<320x128xf32, #tpu.memory_space<hbm>>
      tpu.enqueue_dma source(%arg9 : memref<320x128xf32, #tpu.memory_space<vmem>>) target(%dma_start3A_71 : memref<320x128xf32, #tpu.memory_space<hbm>>) target_semaphore(%run_scoped3A : memref<!tpu.dma_semaphore, #tpu.memory_space<semaphore_mem>>)
      %dma_wait3A = arith.constant 0 : i32
      %dma_wait3A_72 = tpu.memref_slice %arg5[%mul3A_2, %dma_wait3A] : memref<10240x128xf32, #tpu.memory_space<hbm>> -> memref<320x128xf32, #tpu.memory_space<hbm>>
      %dma_wait3A_73 = arith.constant 0 : i32
      %dma_wait3A_74 = tpu.memref_slice %arg5[%mul3A_2, %dma_wait3A_73] : memref<10240x128xf32, #tpu.memory_space<hbm>> -> memref<320x128xf32, #tpu.memory_space<hbm>>
      tpu.wait_dma2 semaphore(%run_scoped3A : memref<!tpu.dma_semaphore, #tpu.memory_space<semaphore_mem>>) src(%arg9 : memref<320x128xf32, #tpu.memory_space<vmem>>) dst(%dma_wait3A_74 : memref<320x128xf32, #tpu.memory_space<hbm>>)
      tpu.yield
    }) : () -> ()
    return
  }
}

module attributes {stable_mosaic.version = 14 : i64} {
  func.func @_node_mm2_body(%arg0: i32, %arg1: memref<1000x128xf32, #tpu.memory_space<vmem>>, %arg2: memref<128x128xf32, #tpu.memory_space<vmem>>, %arg3: memref<128xf32, #tpu.memory_space<vmem>>, %arg4: memref<128x128xf32, #tpu.memory_space<vmem>>, %arg5: memref<128xf32, #tpu.memory_space<vmem>>, %arg6: memref<1000x128xf32, #tpu.memory_space<vmem>>, %arg7: memref<1000x128xf32, #tpu.memory_space<vmem>>) attributes {dimension_semantics = [#tpu.dimension_semantics<arbitrary>], iteration_bounds = array<i64: 10>, scalar_prefetch = 0 : i64, scratch_operands = 0 : i64, tpu.core_type = #tpu.core_type<tc>, window_params = [{transform_indices = @transform_0, window_bounds = array<i64: 1000, 128>}, {pipeline_mode = #tpu.pipeline_mode<synchronous>, transform_indices = @transform_1, window_bounds = array<i64: 128, 128>}, {pipeline_mode = #tpu.pipeline_mode<synchronous>, transform_indices = @transform_2, window_bounds = array<i64: 128>}, {pipeline_mode = #tpu.pipeline_mode<synchronous>, transform_indices = @transform_3, window_bounds = array<i64: 128, 128>}, {pipeline_mode = #tpu.pipeline_mode<synchronous>, transform_indices = @transform_4, window_bounds = array<i64: 128>}, {transform_indices = @transform_5, window_bounds = array<i64: 1000, 128>}, {transform_indices = @transform_6, window_bounds = array<i64: 1000, 128>}]} {
    %get3A = arith.constant 0 : index
    %get3A_0 = arith.constant 0 : index
    %get3A_1 = vector.load %arg1[%get3A, %get3A_0] : memref<1000x128xf32, #tpu.memory_space<vmem>>, vector<1000x128xf32>
    %get3A_2 = arith.constant 0 : index
    %get3A_3 = arith.constant 0 : index
    %get3A_4 = vector.load %arg2[%get3A_2, %get3A_3] : memref<128x128xf32, #tpu.memory_space<vmem>>, vector<128x128xf32>
    %dot_general3A = arith.constant dense<0.000000e+00> : vector<1000x128xf32>
    %dot_general3A_5 = tpu.matmul %get3A_1, %get3A_4, %dot_general3A {dimension_numbers = #tpu.dot_dimension_numbers<[1], [0], [0], [1], [0, 0, 1, 1], [], []>, transpose_lhs_hint = false} : vector<1000x128xf32>, vector<128x128xf32>, vector<1000x128xf32> -> vector<1000x128xf32>
    %get3A_6 = arith.constant 0 : index
    %get3A_7 = vector.load %arg3[%get3A_6] : memref<128xf32, #tpu.memory_space<vmem>>, vector<128xf32>
    %broadcast_in_dim3A = vector.shape_cast %get3A_7 : vector<128xf32> to vector<1x128xf32>
    %add3A = vector.broadcast %broadcast_in_dim3A : vector<1x128xf32> to vector<1000x128xf32>
    %add3A_8 = arith.addf %dot_general3A_5, %add3A : vector<1000x128xf32>
    %swap3A = arith.constant 0 : index
    %swap3A_9 = arith.constant 0 : index
    %swap3A_10 = vector.load %arg6[%swap3A, %swap3A_9] : memref<1000x128xf32, #tpu.memory_space<vmem>>, vector<1000x128xf32>
    tpu.vector_store %arg6[%swap3A, %swap3A_9], %add3A_8 {strides = array<i32>} : memref<1000x128xf32, #tpu.memory_space<vmem>>, vector<1000x128xf32>,
    %get3A_11 = arith.constant 0 : index
    %get3A_12 = arith.constant 0 : index
    %get3A_13 = vector.load %arg4[%get3A_11, %get3A_12] : memref<128x128xf32, #tpu.memory_space<vmem>>, vector<128x128xf32>
    %dot_general3A_14 = arith.constant dense<0.000000e+00> : vector<1000x128xf32>
    %dot_general3A_15 = tpu.matmul %get3A_1, %get3A_13, %dot_general3A_14 {dimension_numbers = #tpu.dot_dimension_numbers<[1], [0], [0], [1], [0, 0, 1, 1], [], []>, transpose_lhs_hint = false} : vector<1000x128xf32>, vector<128x128xf32>, vector<1000x128xf32> -> vector<1000x128xf32>
    %get3A_16 = arith.constant 0 : index
    %get3A_17 = vector.load %arg5[%get3A_16] : memref<128xf32, #tpu.memory_space<vmem>>, vector<128xf32>
    %broadcast_in_dim3A_18 = vector.shape_cast %get3A_17 : vector<128xf32> to vector<1x128xf32>
    %add3A_19 = vector.broadcast %broadcast_in_dim3A_18 : vector<1x128xf32> to vector<1000x128xf32>
    %add3A_20 = arith.addf %dot_general3A_15, %add3A_19 : vector<1000x128xf32>
    %swap3A_21 = arith.constant 0 : index
    %swap3A_22 = arith.constant 0 : index
    %swap3A_23 = vector.load %arg7[%swap3A_21, %swap3A_22] : memref<1000x128xf32, #tpu.memory_space<vmem>>, vector<1000x128xf32>
    tpu.vector_store %arg7[%swap3A_21, %swap3A_22], %add3A_20 {strides = array<i32>} : memref<1000x128xf32, #tpu.memory_space<vmem>>, vector<1000x128xf32>,
    return
  }
  func.func @transform_0(%arg0: i32) -> (i32, i32) {
    %c0_i32 = arith.constant 0 : i32
    %c0_i32_0 = arith.constant 0 : i32
    return %arg0, %c0_i32 : i32, i32
  }
  func.func @transform_1(%arg0: i32) -> (i32, i32) {
    %c0_i32 = arith.constant 0 : i32
    %c0_i32_0 = arith.constant 0 : i32
    %c0_i32_1 = arith.constant 0 : i32
    return %c0_i32, %c0_i32_0 : i32, i32
  }
  func.func @transform_2(%arg0: i32) -> i32 {
    %c0_i32 = arith.constant 0 : i32
    %c0_i32_0 = arith.constant 0 : i32
    return %c0_i32 : i32
  }
  func.func @transform_3(%arg0: i32) -> (i32, i32) {
    %c0_i32 = arith.constant 0 : i32
    %c0_i32_0 = arith.constant 0 : i32
    %c0_i32_1 = arith.constant 0 : i32
    return %c0_i32, %c0_i32_0 : i32, i32
  }
  func.func @transform_4(%arg0: i32) -> i32 {
    %c0_i32 = arith.constant 0 : i32
    %c0_i32_0 = arith.constant 0 : i32
    return %c0_i32 : i32
  }
  func.func @transform_5(%arg0: i32) -> (i32, i32) {
    %c0_i32 = arith.constant 0 : i32
    %c0_i32_0 = arith.constant 0 : i32
    return %arg0, %c0_i32 : i32, i32
  }
  func.func @transform_6(%arg0: i32) -> (i32, i32) {
    %c0_i32 = arith.constant 0 : i32
    %c0_i32_0 = arith.constant 0 : i32
    return %arg0, %c0_i32 : i32, i32
  }
}

module attributes {stable_mosaic.version = 14 : i64} {
  func.func @_edge_mlp_body(%arg0: i32, %arg1: memref<1024x128xf32, #tpu.memory_space<vmem>>, %arg2: memref<1024x128xf32, #tpu.memory_space<vmem>>, %arg3: memref<1024x16xf32, #tpu.memory_space<vmem>>, %arg4: memref<16x128xf32, #tpu.memory_space<vmem>>, %arg5: memref<128xf32, #tpu.memory_space<vmem>>, %arg6: memref<128x128xf32, #tpu.memory_space<vmem>>, %arg7: memref<128xf32, #tpu.memory_space<vmem>>, %arg8: memref<1024x128xf32, #tpu.memory_space<vmem>>) attributes {dimension_semantics = [#tpu.dimension_semantics<arbitrary>], iteration_bounds = array<i64: 320>, scalar_prefetch = 0 : i64, scratch_operands = 0 : i64, tpu.core_type = #tpu.core_type<tc>, window_params = [{transform_indices = @transform_0, window_bounds = array<i64: 1024, 128>}, {transform_indices = @transform_1, window_bounds = array<i64: 1024, 128>}, {transform_indices = @transform_2, window_bounds = array<i64: 1024, 16>}, {pipeline_mode = #tpu.pipeline_mode<synchronous>, transform_indices = @transform_3, window_bounds = array<i64: 16, 128>}, {pipeline_mode = #tpu.pipeline_mode<synchronous>, transform_indices = @transform_4, window_bounds = array<i64: 128>}, {pipeline_mode = #tpu.pipeline_mode<synchronous>, transform_indices = @transform_5, window_bounds = array<i64: 128, 128>}, {pipeline_mode = #tpu.pipeline_mode<synchronous>, transform_indices = @transform_6, window_bounds = array<i64: 128>}, {transform_indices = @transform_7, window_bounds = array<i64: 1024, 128>}]} {
    %get3A = arith.constant 0 : index
    %get3A_0 = arith.constant 0 : index
    %get3A_1 = vector.load %arg3[%get3A, %get3A_0] : memref<1024x16xf32, #tpu.memory_space<vmem>>, vector<1024x16xf32>
    %get3A_2 = arith.constant 0 : index
    %get3A_3 = arith.constant 0 : index
    %get3A_4 = vector.load %arg4[%get3A_2, %get3A_3] : memref<16x128xf32, #tpu.memory_space<vmem>>, vector<16x128xf32>
    %dot_general3A = arith.constant dense<0.000000e+00> : vector<1024x128xf32>
    %dot_general3A_5 = tpu.matmul %get3A_1, %get3A_4, %dot_general3A {dimension_numbers = #tpu.dot_dimension_numbers<[1], [0], [0], [1], [0, 0, 1, 1], [], []>, transpose_lhs_hint = false} : vector<1024x16xf32>, vector<16x128xf32>, vector<1024x128xf32> -> vector<1024x128xf32>
    %get3A_6 = arith.constant 0 : index
    %get3A_7 = arith.constant 0 : index
    %get3A_8 = vector.load %arg1[%get3A_6, %get3A_7] : memref<1024x128xf32, #tpu.memory_space<vmem>>, vector<1024x128xf32>
    %get3A_9 = arith.constant 0 : index
    %get3A_10 = arith.constant 0 : index
    %get3A_11 = vector.load %arg2[%get3A_9, %get3A_10] : memref<1024x128xf32, #tpu.memory_space<vmem>>, vector<1024x128xf32>
    %add3A = arith.addf %get3A_8, %get3A_11 : vector<1024x128xf32>
    %add3A_12 = arith.addf %add3A, %dot_general3A_5 : vector<1024x128xf32>
    %get3A_13 = arith.constant 0 : index
    %get3A_14 = vector.load %arg5[%get3A_13] : memref<128xf32, #tpu.memory_space<vmem>>, vector<128xf32>
    %broadcast_in_dim3A = vector.shape_cast %get3A_14 : vector<128xf32> to vector<1x128xf32>
    %add3A_15 = vector.broadcast %broadcast_in_dim3A : vector<1x128xf32> to vector<1024x128xf32>
    %add3A_16 = arith.addf %add3A_12, %add3A_15 : vector<1024x128xf32>
    %max3A = arith.constant 0.000000e+00 : f32
    %max3A_17 = vector.broadcast %max3A : f32 to vector<1024x128xf32>
    %max3A_18 = arith.maximumf %add3A_16, %max3A_17 : vector<1024x128xf32>
    %get3A_19 = arith.constant 0 : index
    %get3A_20 = arith.constant 0 : index
    %get3A_21 = vector.load %arg6[%get3A_19, %get3A_20] : memref<128x128xf32, #tpu.memory_space<vmem>>, vector<128x128xf32>
    %dot_general3A_22 = arith.constant dense<0.000000e+00> : vector<1024x128xf32>
    %dot_general3A_23 = tpu.matmul %max3A_18, %get3A_21, %dot_general3A_22 {dimension_numbers = #tpu.dot_dimension_numbers<[1], [0], [0], [1], [0, 0, 1, 1], [], []>, transpose_lhs_hint = false} : vector<1024x128xf32>, vector<128x128xf32>, vector<1024x128xf32> -> vector<1024x128xf32>
    %get3A_24 = arith.constant 0 : index
    %get3A_25 = vector.load %arg7[%get3A_24] : memref<128xf32, #tpu.memory_space<vmem>>, vector<128xf32>
    %broadcast_in_dim3A_26 = vector.shape_cast %get3A_25 : vector<128xf32> to vector<1x128xf32>
    %add3A_27 = vector.broadcast %broadcast_in_dim3A_26 : vector<1x128xf32> to vector<1024x128xf32>
    %add3A_28 = arith.addf %dot_general3A_23, %add3A_27 : vector<1024x128xf32>
    %max3A_29 = arith.constant 0.000000e+00 : f32
    %max3A_30 = vector.broadcast %max3A_29 : f32 to vector<1024x128xf32>
    %max3A_31 = arith.maximumf %add3A_28, %max3A_30 : vector<1024x128xf32>
    %swap3A = arith.constant 0 : index
    %swap3A_32 = arith.constant 0 : index
    %swap3A_33 = vector.load %arg8[%swap3A, %swap3A_32] : memref<1024x128xf32, #tpu.memory_space<vmem>>, vector<1024x128xf32>
    tpu.vector_store %arg8[%swap3A, %swap3A_32], %max3A_31 {strides = array<i32>} : memref<1024x128xf32, #tpu.memory_space<vmem>>, vector<1024x128xf32>,
    return
  }
  func.func @transform_0(%arg0: i32) -> (i32, i32) {
    %c0_i32 = arith.constant 0 : i32
    %c0_i32_0 = arith.constant 0 : i32
    return %arg0, %c0_i32 : i32, i32
  }
  func.func @transform_1(%arg0: i32) -> (i32, i32) {
    %c0_i32 = arith.constant 0 : i32
    %c0_i32_0 = arith.constant 0 : i32
    return %arg0, %c0_i32 : i32, i32
  }
  func.func @transform_2(%arg0: i32) -> (i32, i32) {
    %c0_i32 = arith.constant 0 : i32
    %c0_i32_0 = arith.constant 0 : i32
    return %arg0, %c0_i32 : i32, i32
  }
  func.func @transform_3(%arg0: i32) -> (i32, i32) {
    %c0_i32 = arith.constant 0 : i32
    %c0_i32_0 = arith.constant 0 : i32
    %c0_i32_1 = arith.constant 0 : i32
    return %c0_i32, %c0_i32_0 : i32, i32
  }
  func.func @transform_4(%arg0: i32) -> i32 {
    %c0_i32 = arith.constant 0 : i32
    %c0_i32_0 = arith.constant 0 : i32
    return %c0_i32 : i32
  }
  func.func @transform_5(%arg0: i32) -> (i32, i32) {
    %c0_i32 = arith.constant 0 : i32
    %c0_i32_0 = arith.constant 0 : i32
    %c0_i32_1 = arith.constant 0 : i32
    return %c0_i32, %c0_i32_0 : i32, i32
  }
  func.func @transform_6(%arg0: i32) -> i32 {
    %c0_i32 = arith.constant 0 : i32
    %c0_i32_0 = arith.constant 0 : i32
    return %c0_i32 : i32
  }
  func.func @transform_7(%arg0: i32) -> (i32, i32) {
    %c0_i32 = arith.constant 0 : i32
    %c0_i32_0 = arith.constant 0 : i32
    return %arg0, %c0_i32 : i32, i32
  }
}

module attributes {stable_mosaic.version = 14 : i64} {
  func.func @_out_body(%arg0: i32, %arg1: memref<1000x128xf32, #tpu.memory_space<vmem>>, %arg2: memref<1000x128xf32, #tpu.memory_space<vmem>>, %arg3: memref<128x128xf32, #tpu.memory_space<vmem>>, %arg4: memref<128xf32, #tpu.memory_space<vmem>>, %arg5: memref<128x128xf32, #tpu.memory_space<vmem>>, %arg6: memref<128xf32, #tpu.memory_space<vmem>>, %arg7: memref<1000x128xf32, #tpu.memory_space<vmem>>) attributes {dimension_semantics = [#tpu.dimension_semantics<arbitrary>], iteration_bounds = array<i64: 10>, scalar_prefetch = 0 : i64, scratch_operands = 0 : i64, tpu.core_type = #tpu.core_type<tc>, window_params = [{transform_indices = @transform_0, window_bounds = array<i64: 1000, 128>}, {transform_indices = @transform_1, window_bounds = array<i64: 1000, 128>}, {pipeline_mode = #tpu.pipeline_mode<synchronous>, transform_indices = @transform_2, window_bounds = array<i64: 128, 128>}, {pipeline_mode = #tpu.pipeline_mode<synchronous>, transform_indices = @transform_3, window_bounds = array<i64: 128>}, {pipeline_mode = #tpu.pipeline_mode<synchronous>, transform_indices = @transform_4, window_bounds = array<i64: 128, 128>}, {pipeline_mode = #tpu.pipeline_mode<synchronous>, transform_indices = @transform_5, window_bounds = array<i64: 128>}, {transform_indices = @transform_6, window_bounds = array<i64: 1000, 128>}]} {
    %get3A = arith.constant 0 : index
    %get3A_0 = arith.constant 0 : index
    %get3A_1 = vector.load %arg1[%get3A, %get3A_0] : memref<1000x128xf32, #tpu.memory_space<vmem>>, vector<1000x128xf32>
    %get3A_2 = arith.constant 0 : index
    %get3A_3 = arith.constant 0 : index
    %get3A_4 = vector.load %arg3[%get3A_2, %get3A_3] : memref<128x128xf32, #tpu.memory_space<vmem>>, vector<128x128xf32>
    %dot_general3A = arith.constant dense<0.000000e+00> : vector<1000x128xf32>
    %dot_general3A_5 = tpu.matmul %get3A_1, %get3A_4, %dot_general3A {dimension_numbers = #tpu.dot_dimension_numbers<[1], [0], [0], [1], [0, 0, 1, 1], [], []>, transpose_lhs_hint = false} : vector<1000x128xf32>, vector<128x128xf32>, vector<1000x128xf32> -> vector<1000x128xf32>
    %get3A_6 = arith.constant 0 : index
    %get3A_7 = vector.load %arg4[%get3A_6] : memref<128xf32, #tpu.memory_space<vmem>>, vector<128xf32>
    %broadcast_in_dim3A = vector.shape_cast %get3A_7 : vector<128xf32> to vector<1x128xf32>
    %add3A = vector.broadcast %broadcast_in_dim3A : vector<1x128xf32> to vector<1000x128xf32>
    %add3A_8 = arith.addf %dot_general3A_5, %add3A : vector<1000x128xf32>
    %get3A_9 = arith.constant 0 : index
    %get3A_10 = arith.constant 0 : index
    %get3A_11 = vector.load %arg2[%get3A_9, %get3A_10] : memref<1000x128xf32, #tpu.memory_space<vmem>>, vector<1000x128xf32>
    %get3A_12 = arith.constant 0 : index
    %get3A_13 = arith.constant 0 : index
    %get3A_14 = vector.load %arg5[%get3A_12, %get3A_13] : memref<128x128xf32, #tpu.memory_space<vmem>>, vector<128x128xf32>
    %dot_general3A_15 = arith.constant dense<0.000000e+00> : vector<1000x128xf32>
    %dot_general3A_16 = tpu.matmul %get3A_11, %get3A_14, %dot_general3A_15 {dimension_numbers = #tpu.dot_dimension_numbers<[1], [0], [0], [1], [0, 0, 1, 1], [], []>, transpose_lhs_hint = false} : vector<1000x128xf32>, vector<128x128xf32>, vector<1000x128xf32> -> vector<1000x128xf32>
    %get3A_17 = arith.constant 0 : index
    %get3A_18 = vector.load %arg6[%get3A_17] : memref<128xf32, #tpu.memory_space<vmem>>, vector<128xf32>
    %broadcast_in_dim3A_19 = vector.shape_cast %get3A_18 : vector<128xf32> to vector<1x128xf32>
    %add3A_20 = vector.broadcast %broadcast_in_dim3A_19 : vector<1x128xf32> to vector<1000x128xf32>
    %add3A_21 = arith.addf %dot_general3A_16, %add3A_20 : vector<1000x128xf32>
    %add3A_22 = arith.addf %add3A_8, %add3A_21 : vector<1000x128xf32>
    %swap3A = arith.constant 0 : index
    %swap3A_23 = arith.constant 0 : index
    %swap3A_24 = vector.load %arg7[%swap3A, %swap3A_23] : memref<1000x128xf32, #tpu.memory_space<vmem>>, vector<1000x128xf32>
    tpu.vector_store %arg7[%swap3A, %swap3A_23], %add3A_22 {strides = array<i32>} : memref<1000x128xf32, #tpu.memory_space<vmem>>, vector<1000x128xf32>,
    return
  }
  func.func @transform_0(%arg0: i32) -> (i32, i32) {
    %c0_i32 = arith.constant 0 : i32
    %c0_i32_0 = arith.constant 0 : i32
    return %arg0, %c0_i32 : i32, i32
  }
  func.func @transform_1(%arg0: i32) -> (i32, i32) {
    %c0_i32 = arith.constant 0 : i32
    %c0_i32_0 = arith.constant 0 : i32
    return %arg0, %c0_i32 : i32, i32
  }
  func.func @transform_2(%arg0: i32) -> (i32, i32) {
    %c0_i32 = arith.constant 0 : i32
    %c0_i32_0 = arith.constant 0 : i32
    %c0_i32_1 = arith.constant 0 : i32
    return %c0_i32, %c0_i32_0 : i32, i32
  }
  func.func @transform_3(%arg0: i32) -> i32 {
    %c0_i32 = arith.constant 0 : i32
    %c0_i32_0 = arith.constant 0 : i32
    return %c0_i32 : i32
  }
  func.func @transform_4(%arg0: i32) -> (i32, i32) {
    %c0_i32 = arith.constant 0 : i32
    %c0_i32_0 = arith.constant 0 : i32
    %c0_i32_1 = arith.constant 0 : i32
    return %c0_i32, %c0_i32_0 : i32, i32
  }
  func.func @transform_5(%arg0: i32) -> i32 {
    %c0_i32 = arith.constant 0 : i32
    %c0_i32_0 = arith.constant 0 : i32
    return %c0_i32 : i32
  }
  func.func @transform_6(%arg0: i32) -> (i32, i32) {
    %c0_i32 = arith.constant 0 : i32
    %c0_i32_0 = arith.constant 0 : i32
    return %arg0, %c0_i32 : i32, i32
  }
}

</mosaic_0001>

<sc_bundles>
// kernel: kernel.10.cloned.1.call-start
scs
__scs_entry_jumppad:
0x0: {  	(pc) =	sbr.rel $0x88, $3  }
0x1: {  	(tag) =	ssettag $0x0;
	lr =	simm.s32 $0x1  }
0x2: {  	[smem:$0x3F92] =	sst lr;
	_ =	strace $0xD0000000  }
0x3: {  	_ = 	snop  }
0x4: {  	_ = 	snop  }
0x5: {  	_ = 	snop  }
0x6: {  	_ = 	snop  }
0x7: {  	_ = 	snop  }
__scs_overlays_trampoline_lowered:
0x8: {  	[smem:$0x3FA1] =	sst s0  }
0x9: {  	[smem:$0x3FA2] =	sst s1  }
0xa: {  	[smem:$0x3FA3] =	sst s2  }
0xb: {  	[smem:$0x3FA4] =	sst s3  }
0xc: {  	[smem:$0x3FA5] =	sst s4  }
0xd: {  	[smem:$0x3FA6] =	sst s5  }
0xe: {  	[smem:$0x3FA7] =	sst s6  }
0xf: {  	[smem:$0x3FA8] =	sst s7  }
0x10: {  	[smem:$0x3FA9] =	sst s8  }
0x11: {  	[smem:$0x3FAA] =	sst s9;
	s0 =	simm.s32 @!p0 $0x0  }
0x12: {  	s1 =	sld [smem:$0x3F90];
	s0 =	simm.s32 @p0 $0x1  }
0x13: {  	[smem:$0x3FAB] =	sst s0;
	s0 =	simm.s32 @!p1 $0x0  }
0x14: {  	s2 =	sld [smem:$0x3F8F];
	s0 =	simm.s32 @p1 $0x1  }
0x15: {  	[smem:$0x3FAC] =	sst s0;
	s0 =	simm.s32 @!p2 $0x0  }
0x16: {  	s3 =	sld [smem:$0x3FDB];
	s0 =	simm.s32 @p2 $0x1  }
0x17: {  	s4 =	simm.s32 $0x1BF5;
	[smem:$0x3FAE] =	sst s0  }
0x18: {  	s0 =	sld [smem:$0x3F91];
	_ =	swait.ge [sflag:s4], $0x0  }
0x19: {  	s7 =	sld [smem:$0x3F92]  }
0x1a: {  	s8 =	sadd.s32 $0xFFFFE003, lr  }
0x1b: {  	s9 =	sadd.s32 $0xFFFFFEF7, lr;
	s5 =	simm.s32 $0xFFFFFFFF;
	p2 =	slt.u32 s8, $0xFFFFF086  }
0x1c: {  	p1 =	slt.u32 s9, $0xF7A;
	s5 =	simm.s32 @!p2 $0x0  }
0x1d: {  	s5 =	simm.s32 @p1 $0x1;
	p0 =	seq.s32 s7, s2  }
0x1e: {  	s7 =	smul.u32 @!p0 $0xF7A, s2;
	p2 =	seq.s32 @!p0 s5, $0x0  }
0x1f: {  	s9 =	smul.u32 $0xF7A, s1;
	s8 =	simm.s32 @!p0 $0x1BF5;
	p2 =	por !p2, p0  }
0x20: {  	[sflag:s8] =	ssyncset.s32 @!p0 $0xFFFFF086;
	s6 =	sadd.s32 @!p0 s3, s7;
	s7 =	simm.s32 @!p0 $0x108  }
0x21: {  	s3 =	sadd.s32 s3, s9;
	s6 =	sadd.s32 @!p0 $0x88, s6;
	s7 =	simm.s32 @p2 $0x1082  }
0x22: {  	[simem:s7], [sflag:s8] =	dma.local @!p0 [hbm:s6], $0xF7A  }
0x23: {  	s9 =	sor.u32 $0xD0000000, s2;
	s6 =	simm.s32 $0x108;
	_ =	swait.ge @!p0 [sflag:s8], $0x0  }
0x24: {  	s3 =	sadd.s32 $0x88, s3;
	s6 =	simm.s32 @!p1 $0x1082;
	[sflag:s4] =	ssyncset.s32 $0xFFFFF086  }
0x25: {  	[simem:s6], [sflag:s4] =	dma.local [hbm:s3], $0xF7A  }
0x26: {  	[smem:$0x3F92] =	sst s1;
	(tag) =	ssettag s2;
	_ =	strace s9  }
0x27: {  	s1 =	sld [smem:$0x3FA2]  }
0x28: {  	s2 =	sld [smem:$0x3FA3]  }
0x29: {  	s4 =	sld [smem:$0x3FA5]  }
0x2a: {  	p0 =	seq.s32 s5, $0x0;
	s5 =	sld [smem:$0x3FA6]  }
0x2b: {  	s6 =	sld [smem:$0x3FA7]  }
0x2c: {  	s7 =	sld [smem:$0x3FA8]  }
0x2d: {  	s3 =	simm.s32 $0x108;
	s8 =	sld [smem:$0x3FA9]  }
0x2e: {  	s3 =	simm.s32 @!p0 $0x1082;
	s9 =	sld [smem:$0x3FAA]  }
0x2f: {  	lr =	sadd.s32 s0, s3;
	s0 =	sld [smem:$0x3FA1]  }
0x30: {  	s3 =	sld [smem:$0x3FA4]  }
0x31: {  	[smem:$0x3FAD] =	sst s10  }
0x32: {  	s10 =	sld [smem:$0x3FAB];
	_ =	sdelay $0x3  }
0x33: {  	p0 =	seq.s32 s10, $0x1;
	s10 =	sld [smem:$0x3FAD];
	_ =	sdelay $0x3  }
0x34: {  	[smem:$0x3FAD] =	sst s10  }
0x35: {  	s10 =	sld [smem:$0x3FAC];
	_ =	sdelay $0x3  }
0x36: {  	p1 =	seq.s32 s10, $0x1;
	s10 =	sld [smem:$0x3FAD];
	_ =	sdelay $0x3  }
0x37: {  	[smem:$0x3FAD] =	sst s10  }
0x38: {  	s10 =	sld [smem:$0x3FAE]  }
0x39: {  	_ = 	snop;
	(pc) =	sbr.ind lr, $3  }
0x3a: {  	_ = 	snop  }
0x3b: {  	_ = 	snop  }
0x3c: {  	p2 =	seq.s32 s10, $0x1;
	s10 =	sld [smem:$0x3FAD]  }
0x3d: {  	_ =	shalt  }
0x3e: {  	_ =	shalt  }
0x3f: {  	_ =	shalt  }
0x40: {  	_ =	shalt  }
0x41: {  	_ =	shalt  }
0x42: {  	_ =	shalt  }
0x43: {  	_ =	shalt  }
0x44: {  	_ =	shalt  }
0x45: {  	_ =	shalt  }
0x46: {  	_ =	shalt  }
0x47: {  	_ =	shalt  }
0x48: {  	_ =	shalt  }
0x49: {  	_ =	shalt  }
0x4a: {  	_ =	shalt  }
0x4b: {  	_ =	shalt  }
0x4c: {  	_ =	shalt  }
0x4d: {  	_ =	shalt  }
0x4e: {  	_ =	shalt  }
0x4f: {  	_ =	shalt  }
0x50: {  	_ =	shalt  }
0x51: {  	_ =	shalt  }
0x52: {  	_ =	shalt  }
0x53: {  	_ =	shalt  }
0x54: {  	_ =	shalt  }
0x55: {  	_ =	shalt  }
0x56: {  	_ =	shalt  }
0x57: {  	_ =	shalt  }
0x58: {  	_ =	shalt  }
0x59: {  	_ =	shalt  }
0x5a: {  	_ =	shalt  }
0x5b: {  	_ =	shalt  }
0x5c: {  	_ =	shalt  }
0x5d: {  	_ =	shalt  }
0x5e: {  	_ =	shalt  }
0x5f: {  	_ =	shalt  }
0x60: {  	_ =	shalt  }
0x61: {  	_ =	shalt  }
0x62: {  	_ =	shalt  }
0x63: {  	_ =	shalt  }
0x64: {  	_ =	shalt  }
0x65: {  	_ =	shalt  }
0x66: {  	_ =	shalt  }
0x67: {  	_ =	shalt  }
0x68: {  	_ =	shalt  }
0x69: {  	_ =	shalt  }
0x6a: {  	_ =	shalt  }
0x6b: {  	_ =	shalt  }
0x6c: {  	_ =	shalt  }
0x6d: {  	_ =	shalt  }
0x6e: {  	_ =	shalt  }
0x6f: {  	_ =	shalt  }
0x70: {  	_ =	shalt  }
0x71: {  	_ =	shalt  }
0x72: {  	_ =	shalt  }
0x73: {  	_ =	shalt  }
0x74: {  	_ =	shalt  }
0x75: {  	_ =	shalt  }
0x76: {  	_ =	shalt  }
0x77: {  	_ =	shalt  }
0x78: {  	_ =	shalt  }
0x79: {  	_ =	shalt  }
0x7a: {  	_ =	shalt  }
0x7b: {  	_ =	shalt  }
0x7c: {  	_ =	shalt  }
0x7d: {  	_ =	shalt  }
0x7e: {  	_ =	shalt  }
0x7f: {  	_ =	shalt  }
0x80: {  	_ =	shalt  }
0x81: {  	_ =	shalt  }
0x82: {  	_ =	shalt  }
0x83: {  	_ =	shalt  }
0x84: {  	_ =	shalt  }
0x85: {  	_ =	shalt  }
0x86: {  	_ =	shalt  }
0x87: {  	_ =	shalt  }
.Lfunc_end0:
.L_simem_size_0:
called_computation.1_lowered:
.L_overlay_start_0:
0x88: {  	s2 =	sld [smem:$0x3FD9]  }
0x89: {  	s3 =	sld [smem:$0x3FFE];
	_ =	sdelay $0x1  }
0x8a: {  	s1 =	srdreg.scid  }
0x8b: {  	s0 =	sand.u32 $0x1, s1  }
0x8c: {  	s16 =	sshll.u32 s0, $0xA;
	s2 =	sadd.s32 s3, s2  }
0x8d: {  	s2 =	sadd.s32 s2, s16  }
0x8e: {  	[smem:$0x3FB9] =	sst s2  }
0x8f: {  	_ = 	snop  }
0x90: {  	(tm) =	ssettm $0x1  }
0x91: {  	s17 =	sld [smem:$0x3FFB];
	_ =	sdelay $0x3  }
0x92: {  	_ =	strace s17  }
0x93: {  	s2 =	sld [smem:$0x3FFC];
	_ =	sdelay $0x3  }
0x94: {  	_ =	strace s2  }
0x95: {  	s2 =	sld [smem:$0x3FFD];
	_ =	sdelay $0x3  }
0x96: {  	_ =	strace s2  }
0x97: {  	_ =	strace $0x8FFFFFFF  }
0x98: {  	s18 =	sld [smem:$0x3FDB];
	_ =	sdelay $0x1  }
0x99: {  	s19 =	simm.s32 $_scs_section_size  }
0x9a: {  	s4 =	simm.s32 $_size__tile_overlayer_lowered;
	s5 =	simm.s32 $_tile_overlayer_lowered  }
0x9b: {  	s22 =	simm.s32 $0x1BFF;
	s21 =	sshll.u32 s5, $0x1;
	s2 =	sadd.s32 s19, s18  }
0x9c: {  	s6 =	simm.s32 $0x0;
	s20 =	sshll.u32 s4, $0x1;
	s4 =	sadd.s32 s21, s2  }
0x9d: {  	[timem:s6], [sflag:s22] =	dma.local [hbm:s4], s20  }
0x9e: {  	_ =	swait.ge [sflag:s22], s20  }
0x9f: {  	s3 =	ssub.s32 $0x0, s20;
	[sflag:s22] =	ssyncset.done $0x0  }
0xa0: {  	[sflag:s22] =	ssyncadd.s32 s3;
	_ =	sdelay $0x1  }
0xa1: {  	s23 =	simm.s32 $0x1B8B  }
0xa2: {  	_ =	swait.ge [sflag:s23], $0x1  }
0xa3: {  	[sflag:s23] =	ssyncset.done $0x0  }
0xa4: {  	s25 =	simm.s32 $0x1B8E;
	s24 =	sld [smem:$0x3FFE];
	[sflag:s23] =	ssyncadd.s32 $0xFFFFFFFF  }
0xa5: {  	s26 =	simm.s32 $execute0_lowered;
	[smem:$0x3FD2] =	sst s25  }
0xa6: {  	s4 =	sshll.u32 s26, $0x1;
	_ =	strace $0x80000049;
	[dreg:$0x1] =	wrdreg $0xFFFFFFFF  }
0xa7: {  	s28 =	simm.s32 $_size_execute0_lowered;
	s2 =	sadd.s32 s2, s4;
	[dreg:$0x0] =	wrdreg $0x0  }
0xa8: {  	s4 =	sshll.u32 s28, $0x1;
	[dreg:$0x2] =	wrdreg s2  }
0xa9: {  	[dreg:$0x3] =	wrdreg s4  }
0xaa: {  	[dreg:$0x4] =	wrdreg $0xC0  }
0xab: {  	_ =	task [dreg:s6], $0x5FFFF  }
0xac: {  	[dreg:$0x1] =	wrdreg $0xFFFFFFFF  }
0xad: {  	[dreg:$0x0] =	wrdreg $0x60  }
0xae: {  	[dreg:$0x2] =	wrdreg s24  }
0xaf: {  	[dreg:$0x3] =	wrdreg $0x9  }
0xb0: {  	_ =	task.clear_ibuf [dreg:s6], $0x4FFFF;
	_ =	strace $0x90000049  }
0xb1: {  	s29 =	simm.s32 $0x9;
	_ =	strace $0x8000004B  }
0xb2: {  	_ =	swait.ge [sflag:s29], $0x1  }
0xb3: {  	[sflag:s29] =	ssyncadd.s32 $0xFFFFFFFF  }
0xb4: {  	_ =	strace $0x9000004B  }
0xb5: {  	_ =	sfence  }
0xb6: {  	s30 =	sld [smem:$0x0];
	_ =	sdelay $0x2  }
0xb7: {  	s31 =	sshll.u32 s1, $0xD;
	s1 =	sshrl.u32 s1, $0x2  }
0xb8: {  	s3 =	sand.u32 $0x4000, s31;
	s1 =	sadd.s32 s1, s30  }
0xb9: {  	s0 =	sor.u32 s3, s0;
	s1 =	sshll.u32 s1, $0x11  }
0xba: {  	s0 =	sor.u32 s1, s0  }
0xbb: {  	s0 =	sadd.s32 $0x8F2B, s0  }
0xbc: {  	[sflag:s0] =	ssyncadd.remote.s32 $0x1  }
0xbd: {  	_ =	sfence.sel $0xFFFF  }
0xbe: {  	[dreg:$0x0] =	wrdreg $0xFFFFFFFF;
	(pc) =	sbr.abs _section_cstart, $3  }
0xbf: {  	[dreg:$0x1] =	wrdreg $0xFFFFFFFF  }
0xc0: {  	_ =	task.clear_ibuf [dreg:s6], $0x2FFFF;
	_ =	strace $0x9FFFFFFF  }
0xc1: {  	(tm) =	ssettm $0x7FFFFFFF  }
tec
execute0_lowered:
.L_overlay_start_1:
0x0: {  	(tag) =	ssettag $0x1  }
0x1: {  	s7 =	rddreg [dreg:$0x0]  }
0x2: {  	s0 =	rddreg [dreg:$0x1];
	s3 =	srdreg.scid  }
0x3: {  	s1 =	stileid.u32;
	s2 =	simm.s32 $0x0;
	s10 =	simm.s32 $0x1  }
0x4: {  	s11 =	simm.s32 $0x80;
	s12 =	simm.s32 $0x180;
	s13 =	simm.s32 $0x4180  }
0x5: {  	s14 =	simm.s32 $0x0;
	s6 =	sand.u32 $0x1, s3;
	s30 =	sshll.u32 s1, $0x1  }
.Ltmp0:
0x6: {  	[smem:$0x7FF] =	sst s2;
	s3 =	sor.u32 s6, s30;
	(pc) =	sbr.rel .LBB2_1-.Ltmp0, $4  }
0x7: {  	s4 =	sadd.s32 $0x1421200, s7;
	s9 =	ssub.s32 $0x2, s6;
	s8 =	smul.u32 $0x1400, s3  }
0x8: {  	s5 =	sadd.s32 $0xDE00, s7;
	_ =	strace $0x8000004A;
	s31 =	sshrl.u32 s9, $0x1  }
0x9: {  	s6 =	sadd.s32 $0xA3F000, s7;
	s9 =	ssub.s32 s9, s31;
	s8 =	sadd.s32 s8, s7  }
0xa: {  	v0 =	vimm.f32 $0.0e+00;
	s7 =	smul.u32 $0x7FFEC0, s3;
	s9 =	smax.u32 s9, $0x1;
	s8 =	sadd.s32 $0xA3F200, s8  }
.LBB2_10:
0xb: {  	s14 =	sadd.s32 $0x1, s14  }
0xc: {  	p0 =	sne.s32 s14, s9  }
.Ltmp1:
0xd: {  	_ = 	snop;
	(pc) =	sbr.rel @!p0 .LBB2_11-.Ltmp1, $4  }
0xe: {  	[hbm4b:s8+s2] =	stream.linear.scatter [tilespmem:s13], [sflag:$0x1], $0xA000, $0x38;
	[tilespmem:$0xE180] =	vst v63  }
0xf: {  	_ =	swait.ge [sflag:s10], $0xA000  }
0x10: {  	[sflag:s10] =	ssyncset.done $0x0  }
0x11: {  	[sflag:s10] =	ssyncadd.s32 $0xFFFF6000  }
.LBB2_1:
0x12: {  	[tilespmem:s2], [sflag:$0x1] =	stream.linear.gather [hbm4b:s6+s2], $0x80, $0x38;
	[tilespmem:$0xE180] =	vst v63  }
0x13: {  	_ =	swait.ge [sflag:s10], $0x80  }
0x14: {  	[sflag:s10] =	ssyncset.done $0x0  }
0x15: {  	[sflag:s10] =	ssyncadd.s32 $0xFFFFFF80  }
0x16: {  	s19 =	simm.s32 $0x0;
	s15 =	simm.s32 $0x200;
	v1 =	vld [tilespmem:s3+$0x0]  }
.LBB2_2:
0x17: {  	p0 =	sne.s32 s15, $0x27E00;
	[tilespmem:s19+$0x41F0] =	vst v0  }
0x18: {  	[tilespmem:s19+$0x4180] =	vst v0  }
0x19: {  	[tilespmem:s19+$0x4190] =	vst v0  }
.Ltmp2:
0x1a: {  	[tilespmem:s19+$0x41A0] =	vst v0;
	(pc) =	sbr.rel @p0 .LBB2_2-.Ltmp2, $4  }
0x1b: {  	[tilespmem:s19+$0x41B0] =	vst v0  }
0x1c: {  	[tilespmem:s19+$0x41C0] =	vst v0  }
0x1d: {  	[tilespmem:s19+$0x41D0] =	vst v0  }
0x1e: {  	[tilespmem:s19+$0x41E0] =	vst v0;
	s19 =	sshra.s32 s15, $0x2;
	s15 =	sadd.s32 $0x200, s15  }
0x1f: {  	(v2sf) =	vpush v1, $0x0;
	_ =	sdelay $0x6  }
0x20: {  	(v2sf) =	vpush v1, $0x1;
	_ =	sdelay $0x7  }
0x21: {  	s15 =	spop (v2sf)  }
0x22: {  	s16 =	sand.u32 $0x7, s15  }
0x23: {  	s17 =	sshra.s32 s15, $0x1F;
	p0 =	slt.s32 s15, $0x1;
	p1 =	sne.s32 s16, $0x0  }
0x24: {  	s30 =	sshrl.u32 s17, $0x1D;
	p0 =	por !p0, !p1  }
0x25: {  	s17 =	simm.s32 $0x1;
	s16 =	sadd.s32 s30, s15;
	p0 =	por !p0, !p0  }
0x26: {  	s16 =	sshrl.u32 s16, $0x3;
	s17 =	simm.s32 @!p0 $0x0  }
0x27: {  	s17 =	ssub.s32 s16, s17  }
0x28: {  	s16 =	spop (v2sf);
	s17 =	sshll.u32 s17, $0x3  }
0x29: {  	s18 =	ssub.s32 s16, s17  }
0x2a: {  	s18 =	sadd.s32 $0x7F, s18  }
0x2b: {  	s20 =	sand.u32 $0x7F, s18  }
0x2c: {  	s31 =	sshra.s32 s18, $0x1F;
	p6 =	slt.s32 s18, $0x1;
	p5 =	sne.s32 s20, $0x0  }
0x2d: {  	s20 =	sshrl.u32 s31, $0x19;
	p0 =	por !p6, !p5  }
0x2e: {  	s18 =	sadd.s32 s20, s18;
	s20 =	simm.s32 $0x1;
	p0 =	por !p0, !p0  }
0x2f: {  	[tilespmem:s19+$0x41F0] =	vst v0;
	s18 =	sshra.s32 s18, $0x7;
	s20 =	simm.s32 @!p0 $0x0  }
0x30: {  	[tilespmem:s19+$0x4180] =	vst v0;
	s18 =	ssub.s32 s18, s20  }
0x31: {  	[tilespmem:s19+$0x4190] =	vst v0;
	p0 =	slt.s32 s18, $0x1  }
.Ltmp3:
0x32: {  	[tilespmem:s19+$0x41A0] =	vst v0;
	(pc) =	sbr.rel @p0 .LBB2_10-.Ltmp3, $4  }
0x33: {  	[tilespmem:s19+$0x41B0] =	vst v0  }
0x34: {  	[tilespmem:s19+$0x41C0] =	vst v0  }
0x35: {  	[tilespmem:s19+$0x41D0] =	vst v0  }
0x36: {  	[tilespmem:s19+$0x41E0] =	vst v0  }
.Ltmp4:
0x37: {  	(pc) =	sbr.rel .LBB2_5-.Ltmp4, $2  }
0x38: {  	_ =	sdelay $0x2  }
0x39: {  	s19 =	ssub.s32 s15, s17;
	s20 =	simm.s32 $0x0  }
.LBB2_8:
0x3a: {  	[tilespmem:s25+$0x41F0] =	vst v1  }
.LBB2_9:
0x3b: {  	s20 =	sadd.s32 $0x1, s20  }
0x3c: {  	p0 =	sne.s32 s20, s18  }
.Ltmp5:
0x3d: {  	_ = 	snop;
	(pc) =	sbr.rel @!p0 .LBB2_10-.Ltmp5, $2  }
0x3e: {  	_ =	sdelay $0x2  }
0x3f: {  	s19 =	sadd.s32 $0xFFFFFF80, s19  }
.LBB2_5:
0x40: {  	s21 =	sshll.u32 s20, $0x7  }
0x41: {  	s21 =	sadd.s32 s17, s21  }
0x42: {  	s22 =	sshrl.u32 s21, $0x3  }
0x43: {  	s31 =	sshll.u32 s21, $0x4;
	s24 =	ssub.s32 s15, s21;
	s21 =	ssub.s32 s16, s21  }
0x44: {  	s22 =	sadd.s32 s5, s22;
	p0 =	sgt.s32 s24, $0x0;
	p1 =	slt.s32 s21, $0x80  }
0x45: {  	[tilespmem:s11], [sflag:$0x1] =	stream.linear.gather [hbm4b:s22+s2], $0x80, $0x38;
	[tilespmem:$0xE180] =	vst v63  }
0x46: {  	s24 =	simm.s32 @!p0 $0x0;
	s21 =	simm.s32 @!p1 $0x80;
	_ =	swait.ge [sflag:s10], $0x80  }
0x47: {  	p0 =	sge.s32 s24, s21;
	[sflag:s10] =	ssyncset.done $0x0  }
.Ltmp6:
0x48: {  	s22 =	sadd.s32 s4, s31;
	[sflag:s10] =	ssyncadd.s32 $0xFFFFFF80;
	(pc) =	sbr.rel @p0 .LBB2_9-.Ltmp6, $4  }
0x49: {  	[tilespmem:s12], [sflag:$0x1] =	stream.linear.gather [hbm4b:s22+s2], $0x4000, $0x38;
	[tilespmem:$0xE180] =	vst v63  }
0x4a: {  	_ =	swait.ge [sflag:s10], $0x4000  }
0x4b: {  	[sflag:s10] =	ssyncset.done $0x0  }
0x4c: {  	[sflag:s10] =	ssyncadd.s32 $0xFFFFC000  }
0x4d: {  	p0 =	sgt.s32 s19, $0x0;
	s23 =	smov.u32 s19  }
0x4e: {  	s23 =	simm.s32 @!p0 $0x0  }
0x4f: {  	s22 =	sshll.u32 s23, $0x2  }
0x50: {  	s22 =	sshra.s32 s22, $0x2  }
0x51: {  	s22 =	sadd.s32 $0x80, s22  }
0x52: {  	v1 =	vld [tilespmem:s22+$0x0];
	_ =	sdelay $0x4  }
0x53: {  	(v2sf) =	vpush v1, $0x0;
	_ =	sdelay $0xe  }
0x54: {  	s23 =	sshll.u32 s23, $0x9;
	s25 =	spop (v2sf)  }
0x55: {  	s23 =	sshra.s32 s23, $0x2;
	s25 =	sadd.s32 s7, s25  }
0x56: {  	s23 =	sadd.s32 $0x1C0, s23;
	s25 =	sshll.u32 s25, $0x9  }
0x57: {  	v1 =	vld [tilespmem:s23+$0xFFFFFFC0];
	s25 =	sshra.s32 s25, $0x2  }
0x58: {  	v2 =	vld [tilespmem:s25+$0x4180];
	_ =	sdelay $0x4  }
0x59: {  	v1 =	vmax.f32 v2, v1  }
0x5a: {  	[tilespmem:s25+$0x4180] =	vst v1;
	v1 =	vld [tilespmem:s25+$0x4190]  }
0x5b: {  	v2 =	vld [tilespmem:s23+$0xFFFFFFD0];
	_ =	sdelay $0x4  }
0x5c: {  	v1 =	vmax.f32 v1, v2  }
0x5d: {  	[tilespmem:s25+$0x4190] =	vst v1;
	v1 =	vld [tilespmem:s25+$0x41A0]  }
0x5e: {  	v2 =	vld [tilespmem:s23+$0xFFFFFFE0];
	_ =	sdelay $0x4  }
0x5f: {  	v1 =	vmax.f32 v1, v2  }
0x60: {  	[tilespmem:s25+$0x41A0] =	vst v1;
	v1 =	vld [tilespmem:s25+$0x41B0]  }
0x61: {  	v2 =	vld [tilespmem:s23+$0xFFFFFFF0];
	_ =	sdelay $0x4  }
0x62: {  	v1 =	vmax.f32 v1, v2  }
0x63: {  	[tilespmem:s25+$0x41B0] =	vst v1;
	v1 =	vld [tilespmem:s25+$0x41C0]  }
0x64: {  	v2 =	vld [tilespmem:s23+$0x0];
	_ =	sdelay $0x4  }
0x65: {  	v1 =	vmax.f32 v1, v2  }
0x66: {  	[tilespmem:s25+$0x41C0] =	vst v1;
	v1 =	vld [tilespmem:s25+$0x41D0]  }
0x67: {  	v2 =	vld [tilespmem:s23+$0x10];
	_ =	sdelay $0x4  }
0x68: {  	v1 =	vmax.f32 v1, v2  }
0x69: {  	[tilespmem:s25+$0x41D0] =	vst v1;
	v1 =	vld [tilespmem:s25+$0x41E0]  }
0x6a: {  	v2 =	vld [tilespmem:s23+$0x20];
	_ =	sdelay $0x4  }
0x6b: {  	v1 =	vmax.f32 v1, v2  }
0x6c: {  	s24 =	sadd.s32 $0x1, s24;
	[tilespmem:s25+$0x41E0] =	vst v1;
	v1 =	vld [tilespmem:s25+$0x41F0]  }
0x6d: {  	p0 =	slt.s32 s24, s21;
	v2 =	vld [tilespmem:s23+$0x30]  }
.Ltmp7:
0x6e: {  	_ = 	snop;
	(pc) =	sbr.rel @!p0 .LBB2_8-.Ltmp7, $2  }
0x6f: {  	_ =	sdelay $0x2  }
0x70: {  	v1 =	vmax.f32 v1, v2  }
.LBB2_7:
0x71: {  	s24 =	sadd.s32 $0x1, s24;
	[tilespmem:s25+$0x41F0] =	vst v1;
	s22 =	sadd.s32 $0x1, s22;
	s23 =	sadd.s32 $0x80, s23  }
0x72: {  	v1 =	vld [tilespmem:s22+$0x0];
	p0 =	slt.s32 s24, s21;
	_ =	sdelay $0x4  }
0x73: {  	(v2sf) =	vpush v1, $0x0;
	_ =	sdelay $0xe  }
0x74: {  	s25 =	spop (v2sf)  }
0x75: {  	s25 =	sadd.s32 s7, s25  }
0x76: {  	s25 =	sshll.u32 s25, $0x9  }
0x77: {  	s25 =	sshra.s32 s25, $0x2;
	v1 =	vld [tilespmem:s23+$0xFFFFFFC0]  }
0x78: {  	v2 =	vld [tilespmem:s25+$0x4180];
	_ =	sdelay $0x4  }
0x79: {  	v1 =	vmax.f32 v2, v1  }
0x7a: {  	[tilespmem:s25+$0x4180] =	vst v1;
	v1 =	vld [tilespmem:s25+$0x4190]  }
0x7b: {  	v2 =	vld [tilespmem:s23+$0xFFFFFFD0];
	_ =	sdelay $0x4  }
0x7c: {  	v1 =	vmax.f32 v1, v2  }
0x7d: {  	[tilespmem:s25+$0x4190] =	vst v1;
	v1 =	vld [tilespmem:s25+$0x41A0]  }
0x7e: {  	v2 =	vld [tilespmem:s23+$0xFFFFFFE0];
	_ =	sdelay $0x4  }
0x7f: {  	v1 =	vmax.f32 v1, v2  }
0x80: {  	[tilespmem:s25+$0x41A0] =	vst v1;
	v1 =	vld [tilespmem:s25+$0x41B0]  }
0x81: {  	v2 =	vld [tilespmem:s23+$0xFFFFFFF0];
	_ =	sdelay $0x4  }
0x82: {  	v1 =	vmax.f32 v1, v2  }
0x83: {  	[tilespmem:s25+$0x41B0] =	vst v1;
	v1 =	vld [tilespmem:s25+$0x41C0]  }
0x84: {  	v2 =	vld [tilespmem:s23+$0x0];
	_ =	sdelay $0x4  }
0x85: {  	v1 =	vmax.f32 v1, v2  }
0x86: {  	[tilespmem:s25+$0x41C0] =	vst v1;
	v1 =	vld [tilespmem:s25+$0x41D0]  }
0x87: {  	v2 =	vld [tilespmem:s23+$0x10];
	_ =	sdelay $0x4  }
0x88: {  	v1 =	vmax.f32 v1, v2  }
0x89: {  	[tilespmem:s25+$0x41D0] =	vst v1;
	v1 =	vld [tilespmem:s25+$0x41E0]  }
0x8a: {  	v2 =	vld [tilespmem:s23+$0x20];
	_ =	sdelay $0x4  }
0x8b: {  	v1 =	vmax.f32 v1, v2  }
0x8c: {  	[tilespmem:s25+$0x41E0] =	vst v1;
	v1 =	vld [tilespmem:s25+$0x41F0]  }
0x8d: {  	v2 =	vld [tilespmem:s23+$0x30]  }
.Ltmp8:
0x8e: {  	(pc) =	sbr.rel @p0 .LBB2_7-.Ltmp8, $2  }
0x8f: {  	_ =	sdelay $0x2  }
0x90: {  	v1 =	vmax.f32 v1, v2  }
.Ltmp9:
0x91: {  	_ = 	snop;
	(pc) =	sbr.rel .LBB2_8-.Ltmp9, $1  }
0x92: {  	_ =	sdelay $0x3  }
.LBB2_11:
0x93: {  	_ =	sfence.sel $0x180000  }
0x94: {  	[bflag:$0x0] =	sbarrier.arrive $0xFFFF  }
0x95: {  	p0 =	sne.s32 s1, $0x0;
	_ =	strace $0x9000004A  }
0x96: {  	s0 =	sadd.s32 @!p0 $0x100000, s0;
	[bflag:$0x2] =	sbarrier.arrive $0xFFFF  }
0x97: {  	[sflag:s0] =	ssyncadd.tile.s32 @!p0 $0x1;
	_ =	shalt  }
.Lfunc_end2:
_tile_overlayer_lowered:
.L_overlay_start_2:
0x98: {  	(tag) =	ssettag $0x2  }
0x99: {  	s0 =	rddreg [dreg:$0x0];
	s2 =	stileid.u32  }
0x9a: {  	s1 =	rddreg [dreg:$0x1];
	p0 =	sne.s32 s2, $0x0  }
0x9b: {  	s3 =	rddreg [dreg:$0x2];
	[bflag:$0x3] =	sbarrier.arrive $0xFFFF;
	s2 =	simm.s32 @!p0 $0x1C01  }
0x9c: {  	[timem:s3], [sflag:s2] =	dma.local @!p0 [hbm:s0], s1  }
0x9d: {  	s0 =	simm.s32 @!p0 $0x1  }
0x9e: {  	_ =	swait.ge @!p0 [sflag:s0], s1  }
0x9f: {  	s1 =	ssub.s32 @!p0 $0x0, s1;
	[sflag:s0] =	ssyncset.done @!p0 $0x0  }
0xa0: {  	[sflag:s0] =	ssyncadd.s32 @!p0 s1  }
0xa1: {  	[bflag:$0x3] =	sbarrier.arrive $0xFFFF  }
0xa2: {  	_ =	shalt  }

// kernel: kernel.7.cloned.1.call-start
scs
__scs_entry_jumppad:
0x0: {  	(pc) =	sbr.rel $0x88, $3  }
0x1: {  	(tag) =	ssettag $0x0;
	lr =	simm.s32 $0x1  }
0x2: {  	[smem:$0x3F92] =	sst lr;
	_ =	strace $0xD0000000  }
0x3: {  	_ = 	snop  }
0x4: {  	_ = 	snop  }
0x5: {  	_ = 	snop  }
0x6: {  	_ = 	snop  }
0x7: {  	_ = 	snop  }
__scs_overlays_trampoline_lowered:
0x8: {  	[smem:$0x3FA1] =	sst s0  }
0x9: {  	[smem:$0x3FA2] =	sst s1  }
0xa: {  	[smem:$0x3FA3] =	sst s2  }
0xb: {  	[smem:$0x3FA4] =	sst s3  }
0xc: {  	[smem:$0x3FA5] =	sst s4  }
0xd: {  	[smem:$0x3FA6] =	sst s5  }
0xe: {  	[smem:$0x3FA7] =	sst s6  }
0xf: {  	[smem:$0x3FA8] =	sst s7  }
0x10: {  	[smem:$0x3FA9] =	sst s8  }
0x11: {  	[smem:$0x3FAA] =	sst s9;
	s0 =	simm.s32 @!p0 $0x0  }
0x12: {  	s1 =	sld [smem:$0x3F90];
	s0 =	simm.s32 @p0 $0x1  }
0x13: {  	[smem:$0x3FAB] =	sst s0;
	s0 =	simm.s32 @!p1 $0x0  }
0x14: {  	s2 =	sld [smem:$0x3F8F];
	s0 =	simm.s32 @p1 $0x1  }
0x15: {  	[smem:$0x3FAC] =	sst s0;
	s0 =	simm.s32 @!p2 $0x0  }
0x16: {  	s3 =	sld [smem:$0x3FDB];
	s0 =	simm.s32 @p2 $0x1  }
0x17: {  	s4 =	simm.s32 $0x1BF5;
	[smem:$0x3FAE] =	sst s0  }
0x18: {  	s0 =	sld [smem:$0x3F91];
	_ =	swait.ge [sflag:s4], $0x0  }
0x19: {  	s7 =	sld [smem:$0x3F92]  }
0x1a: {  	s8 =	sadd.s32 $0xFFFFE003, lr  }
0x1b: {  	s9 =	sadd.s32 $0xFFFFFEF7, lr;
	s5 =	simm.s32 $0xFFFFFFFF;
	p2 =	slt.u32 s8, $0xFFFFF086  }
0x1c: {  	p1 =	slt.u32 s9, $0xF7A;
	s5 =	simm.s32 @!p2 $0x0  }
0x1d: {  	s5 =	simm.s32 @p1 $0x1;
	p0 =	seq.s32 s7, s2  }
0x1e: {  	s7 =	smul.u32 @!p0 $0xF7A, s2;
	p2 =	seq.s32 @!p0 s5, $0x0  }
0x1f: {  	s9 =	smul.u32 $0xF7A, s1;
	s8 =	simm.s32 @!p0 $0x1BF5;
	p2 =	por !p2, p0  }
0x20: {  	[sflag:s8] =	ssyncset.s32 @!p0 $0xFFFFF086;
	s6 =	sadd.s32 @!p0 s3, s7;
	s7 =	simm.s32 @!p0 $0x108  }
0x21: {  	s3 =	sadd.s32 s3, s9;
	s6 =	sadd.s32 @!p0 $0x88, s6;
	s7 =	simm.s32 @p2 $0x1082  }
0x22: {  	[simem:s7], [sflag:s8] =	dma.local @!p0 [hbm:s6], $0xF7A  }
0x23: {  	s9 =	sor.u32 $0xD0000000, s2;
	s6 =	simm.s32 $0x108;
	_ =	swait.ge @!p0 [sflag:s8], $0x0  }
0x24: {  	s3 =	sadd.s32 $0x88, s3;
	s6 =	simm.s32 @!p1 $0x1082;
	[sflag:s4] =	ssyncset.s32 $0xFFFFF086  }
0x25: {  	[simem:s6], [sflag:s4] =	dma.local [hbm:s3], $0xF7A  }
0x26: {  	[smem:$0x3F92] =	sst s1;
	(tag) =	ssettag s2;
	_ =	strace s9  }
0x27: {  	s1 =	sld [smem:$0x3FA2]  }
0x28: {  	s2 =	sld [smem:$0x3FA3]  }
0x29: {  	s4 =	sld [smem:$0x3FA5]  }
0x2a: {  	p0 =	seq.s32 s5, $0x0;
	s5 =	sld [smem:$0x3FA6]  }
0x2b: {  	s6 =	sld [smem:$0x3FA7]  }
0x2c: {  	s7 =	sld [smem:$0x3FA8]  }
0x2d: {  	s3 =	simm.s32 $0x108;
	s8 =	sld [smem:$0x3FA9]  }
0x2e: {  	s3 =	simm.s32 @!p0 $0x1082;
	s9 =	sld [smem:$0x3FAA]  }
0x2f: {  	lr =	sadd.s32 s0, s3;
	s0 =	sld [smem:$0x3FA1]  }
0x30: {  	s3 =	sld [smem:$0x3FA4]  }
0x31: {  	[smem:$0x3FAD] =	sst s10  }
0x32: {  	s10 =	sld [smem:$0x3FAB];
	_ =	sdelay $0x3  }
0x33: {  	p0 =	seq.s32 s10, $0x1;
	s10 =	sld [smem:$0x3FAD];
	_ =	sdelay $0x3  }
0x34: {  	[smem:$0x3FAD] =	sst s10  }
0x35: {  	s10 =	sld [smem:$0x3FAC];
	_ =	sdelay $0x3  }
0x36: {  	p1 =	seq.s32 s10, $0x1;
	s10 =	sld [smem:$0x3FAD];
	_ =	sdelay $0x3  }
0x37: {  	[smem:$0x3FAD] =	sst s10  }
0x38: {  	s10 =	sld [smem:$0x3FAE]  }
0x39: {  	_ = 	snop;
	(pc) =	sbr.ind lr, $3  }
0x3a: {  	_ = 	snop  }
0x3b: {  	_ = 	snop  }
0x3c: {  	p2 =	seq.s32 s10, $0x1;
	s10 =	sld [smem:$0x3FAD]  }
0x3d: {  	_ =	shalt  }
0x3e: {  	_ =	shalt  }
0x3f: {  	_ =	shalt  }
0x40: {  	_ =	shalt  }
0x41: {  	_ =	shalt  }
0x42: {  	_ =	shalt  }
0x43: {  	_ =	shalt  }
0x44: {  	_ =	shalt  }
0x45: {  	_ =	shalt  }
0x46: {  	_ =	shalt  }
0x47: {  	_ =	shalt  }
0x48: {  	_ =	shalt  }
0x49: {  	_ =	shalt  }
0x4a: {  	_ =	shalt  }
0x4b: {  	_ =	shalt  }
0x4c: {  	_ =	shalt  }
0x4d: {  	_ =	shalt  }
0x4e: {  	_ =	shalt  }
0x4f: {  	_ =	shalt  }
0x50: {  	_ =	shalt  }
0x51: {  	_ =	shalt  }
0x52: {  	_ =	shalt  }
0x53: {  	_ =	shalt  }
0x54: {  	_ =	shalt  }
0x55: {  	_ =	shalt  }
0x56: {  	_ =	shalt  }
0x57: {  	_ =	shalt  }
0x58: {  	_ =	shalt  }
0x59: {  	_ =	shalt  }
0x5a: {  	_ =	shalt  }
0x5b: {  	_ =	shalt  }
0x5c: {  	_ =	shalt  }
0x5d: {  	_ =	shalt  }
0x5e: {  	_ =	shalt  }
0x5f: {  	_ =	shalt  }
0x60: {  	_ =	shalt  }
0x61: {  	_ =	shalt  }
0x62: {  	_ =	shalt  }
0x63: {  	_ =	shalt  }
0x64: {  	_ =	shalt  }
0x65: {  	_ =	shalt  }
0x66: {  	_ =	shalt  }
0x67: {  	_ =	shalt  }
0x68: {  	_ =	shalt  }
0x69: {  	_ =	shalt  }
0x6a: {  	_ =	shalt  }
0x6b: {  	_ =	shalt  }
0x6c: {  	_ =	shalt  }
0x6d: {  	_ =	shalt  }
0x6e: {  	_ =	shalt  }
0x6f: {  	_ =	shalt  }
0x70: {  	_ =	shalt  }
0x71: {  	_ =	shalt  }
0x72: {  	_ =	shalt  }
0x73: {  	_ =	shalt  }
0x74: {  	_ =	shalt  }
0x75: {  	_ =	shalt  }
0x76: {  	_ =	shalt  }
0x77: {  	_ =	shalt  }
0x78: {  	_ =	shalt  }
0x79: {  	_ =	shalt  }
0x7a: {  	_ =	shalt  }
0x7b: {  	_ =	shalt  }
0x7c: {  	_ =	shalt  }
0x7d: {  	_ =	shalt  }
0x7e: {  	_ =	shalt  }
0x7f: {  	_ =	shalt  }
0x80: {  	_ =	shalt  }
0x81: {  	_ =	shalt  }
0x82: {  	_ =	shalt  }
0x83: {  	_ =	shalt  }
0x84: {  	_ =	shalt  }
0x85: {  	_ =	shalt  }
0x86: {  	_ =	shalt  }
0x87: {  	_ =	shalt  }
.Lfunc_end0:
.L_simem_size_0:
called_computation_lowered:
.L_overlay_start_0:
0x88: {  	s2 =	sld [smem:$0x3FD9]  }
0x89: {  	s3 =	sld [smem:$0x3FFE];
	_ =	sdelay $0x1  }
0x8a: {  	s1 =	srdreg.scid  }
0x8b: {  	s0 =	sand.u32 $0x1, s1  }
0x8c: {  	s17 =	sshll.u32 s0, $0xA;
	s2 =	sadd.s32 s3, s2  }
0x8d: {  	s2 =	sadd.s32 s2, s17  }
0x8e: {  	[smem:$0x3FB9] =	sst s2  }
0x8f: {  	_ = 	snop  }
0x90: {  	s2 =	sld [smem:$0x3FD0];
	(tm) =	ssettm $0x1  }
0x91: {  	s18 =	sld [smem:$0x3FFB];
	_ =	sdelay $0x3  }
0x92: {  	_ =	strace s18  }
0x93: {  	s3 =	sld [smem:$0x3FFC];
	_ =	sdelay $0x3  }
0x94: {  	_ =	strace s3  }
0x95: {  	s3 =	sld [smem:$0x3FFD];
	_ =	sdelay $0x3  }
0x96: {  	_ =	strace s3  }
0x97: {  	_ =	strace $0x8FFFFFFF  }
0x98: {  	s19 =	sld [smem:$0x3FDB];
	_ =	sdelay $0x1  }
0x99: {  	s4 =	simm.s32 $_scs_section_size  }
0x9a: {  	s5 =	simm.s32 $_size__tile_overlayer_lowered;
	s6 =	simm.s32 $_tile_overlayer_lowered  }
0x9b: {  	s22 =	simm.s32 $0x1BFF;
	s21 =	sshll.u32 s6, $0x1;
	s3 =	sadd.s32 s4, s19  }
0x9c: {  	s7 =	simm.s32 $0x0;
	s20 =	sshll.u32 s5, $0x1;
	s5 =	sadd.s32 s21, s3  }
0x9d: {  	[timem:s7], [sflag:s22] =	dma.local [hbm:s5], s20  }
0x9e: {  	_ =	swait.ge [sflag:s22], s20  }
0x9f: {  	s4 =	ssub.s32 $0x0, s20;
	[sflag:s22] =	ssyncset.done $0x0  }
0xa0: {  	[sflag:s22] =	ssyncadd.s32 s4;
	_ =	sdelay $0x1  }
0xa1: {  	s23 =	simm.s32 $0x1B8B  }
0xa2: {  	_ =	swait.ge [sflag:s23], $0x1  }
0xa3: {  	[sflag:s23] =	ssyncset.done $0x0  }
0xa4: {  	s25 =	simm.s32 $0x1B8E;
	s24 =	sld [smem:$0x3FFE];
	[sflag:s23] =	ssyncadd.s32 $0xFFFFFFFF  }
0xa5: {  	s26 =	simm.s32 $execute0_lowered;
	[smem:$0x3FD2] =	sst s25  }
0xa6: {  	s5 =	sshll.u32 s26, $0x1;
	_ =	strace $0x80000046;
	[dreg:$0x1] =	wrdreg $0xFFFFFFFF  }
0xa7: {  	s28 =	simm.s32 $_size_execute0_lowered;
	s3 =	sadd.s32 s3, s5;
	[dreg:$0x0] =	wrdreg $0x0  }
0xa8: {  	s5 =	sshll.u32 s28, $0x1;
	[dreg:$0x2] =	wrdreg s3  }
0xa9: {  	[dreg:$0x3] =	wrdreg s5  }
0xaa: {  	[dreg:$0x4] =	wrdreg $0xC0  }
0xab: {  	_ =	task [dreg:s7], $0x5FFFF  }
0xac: {  	[dreg:$0x1] =	wrdreg $0xFFFFFFFF  }
0xad: {  	[dreg:$0x0] =	wrdreg $0x60  }
0xae: {  	[dreg:$0x2] =	wrdreg s2  }
0xaf: {  	[dreg:$0x3] =	wrdreg s24  }
0xb0: {  	[dreg:$0x4] =	wrdreg $0x9  }
0xb1: {  	_ =	task.clear_ibuf [dreg:s7], $0x5FFFF;
	_ =	strace $0x90000046  }
0xb2: {  	s29 =	simm.s32 $0x9;
	_ =	strace $0x80000048  }
0xb3: {  	_ =	swait.ge [sflag:s29], $0x1  }
0xb4: {  	[sflag:s29] =	ssyncadd.s32 $0xFFFFFFFF  }
0xb5: {  	_ =	strace $0x90000048  }
0xb6: {  	_ =	sfence  }
0xb7: {  	s30 =	sld [smem:$0x0];
	_ =	sdelay $0x2  }
0xb8: {  	s31 =	sshll.u32 s1, $0xD;
	s1 =	sshrl.u32 s1, $0x2  }
0xb9: {  	s3 =	sand.u32 $0x4000, s31;
	s1 =	sadd.s32 s1, s30  }
0xba: {  	s0 =	sor.u32 s3, s0;
	s1 =	sshll.u32 s1, $0x11  }
0xbb: {  	s0 =	sor.u32 s1, s0  }
0xbc: {  	s0 =	sadd.s32 $0x8F2B, s0  }
0xbd: {  	[sflag:s0] =	ssyncadd.remote.s32 $0x1  }
0xbe: {  	_ =	sfence.sel $0xFFFF  }
0xbf: {  	[dreg:$0x0] =	wrdreg $0xFFFFFFFF;
	(pc) =	sbr.abs _section_cstart, $3  }
0xc0: {  	[dreg:$0x1] =	wrdreg $0xFFFFFFFF  }
0xc1: {  	_ =	task.clear_ibuf [dreg:s7], $0x2FFFF;
	_ =	strace $0x9FFFFFFF  }
0xc2: {  	(tm) =	ssettm $0x7FFFFFFF  }
0xc3: {  	_ =	shalt  }
tec
execute0_lowered:
.L_overlay_start_1:
0x0: {  	(tag) =	ssettag $0x1  }
0x1: {  	s2 =	rddreg [dreg:$0x0]  }
0x2: {  	s5 =	rddreg [dreg:$0x1]  }
0x3: {  	s0 =	rddreg [dreg:$0x2];
	s4 =	srdreg.scid  }
0x4: {  	s1 =	stileid.u32;
	s3 =	simm.s32 $0x0;
	s12 =	simm.s32 $0x100  }
0x5: {  	s13 =	simm.s32 $0x4100;
	s14 =	simm.s32 $0x1;
	s7 =	smul.u32 $0x5000, s1  }
0x6: {  	s15 =	simm.s32 $0x2;
	s6 =	sand.u32 $0x1, s4;
	s9 =	smul.u32 $0x50000, s1  }
0x7: {  	s16 =	simm.s32 $0x0;
	[smem:$0x7FF] =	sst s3;
	s8 =	smul.u32 $0x2800, s6  }
0x8: {  	s4 =	sadd.s32 $0x17E00, s5;
	s29 =	ssub.s32 $0x2, s6;
	s6 =	smul.u32 $0x28000, s6  }
0x9: {  	_ =	strace $0x80000047;
	s9 =	sadd.s32 s9, s5;
	s10 =	sshrl.u32 s29, $0x1  }
0xa: {  	s7 =	sadd.s32 s8, s7;
	s30 =	ssub.s32 s29, s10;
	s31 =	sadd.s32 s6, s9  }
0xb: {  	s10 =	simm.s32 $0x3;
	s7 =	sshrl.u32 s7, $0x3;
	s6 =	sadd.s32 $0x3F000, s31  }
0xc: {  	s11 =	sadd.s32 s7, s5;
	s5 =	smax.u32 s30, $0x1;
	s7 =	sadd.s32 $0x53F000, s31  }
0xd: {  	s8 =	sadd.s32 $0x3E00, s11;
	s9 =	sadd.s32 $0xDE00, s11;
	s11 =	simm.s32 $0x80  }
.LBB2_1:
0xe: {  	s17 =	sadd.s32 $0x0, s9  }
0xf: {  	[tilespmem:s3], [sflag:$0x3] =	stream.linear.gather [hbm4b:s17+s3], $0x80, $0x38;
	[tilespmem:$0x8100] =	vst v63  }
0x10: {  	_ =	swait.ge [sflag:s10], $0x80  }
0x11: {  	[sflag:s10] =	ssyncset.done $0x0  }
0x12: {  	s31 =	sadd.s32 $0x0, s8;
	[sflag:s10] =	ssyncadd.s32 $0xFFFFFF80  }
0x13: {  	[tilespmem:s11], [sflag:$0x3] =	stream.linear.gather [hbm4b:s31+s3], $0x80, $0x38;
	[tilespmem:$0x8100] =	vst v63  }
0x14: {  	_ =	swait.ge [sflag:s10], $0x80  }
0x15: {  	[sflag:s10] =	ssyncset.done $0x0  }
0x16: {  	[sflag:s10] =	ssyncadd.s32 $0xFFFFFF80  }
0x17: {  	[tilespmem:s12], [sflag:$0x1] =	stream.indirect.gather [hbm4b:s2+s11], $0x80, s3, s11, $0xb8;
	[tilespmem:$0x8100] =	vst v63  }
0x18: {  	_ = 	snop  }
0x19: {  	[tilespmem:s13], [sflag:$0x2] =	stream.indirect.gather [hbm4b:s4+s11], $0x80, s11, s11, $0xb8;
	[tilespmem:$0x8100] =	vst v63  }
0x1a: {  	_ =	swait.ge [sflag:s14], $0x4000  }
0x1b: {  	[sflag:s14] =	ssyncset.done $0x0  }
0x1c: {  	[sflag:s14] =	ssyncadd.s32 $0xFFFFC000  }
0x1d: {  	_ =	swait.ge [sflag:s15], $0x4000  }
0x1e: {  	[sflag:s15] =	ssyncset.done $0x0  }
0x1f: {  	[sflag:s15] =	ssyncadd.s32 $0xFFFFC000  }
0x20: {  	[hbm4b:s6+s3] =	stream.linear.scatter [tilespmem:s12], [sflag:$0x3], $0x4000, $0x38;
	[tilespmem:$0x8100] =	vst v63  }
0x21: {  	_ =	swait.ge [sflag:s10], $0x4000  }
0x22: {  	[sflag:s10] =	ssyncset.done $0x0  }
0x23: {  	[sflag:s10] =	ssyncadd.s32 $0xFFFFC000  }
0x24: {  	[hbm4b:s7+s3] =	stream.linear.scatter [tilespmem:s13], [sflag:$0x3], $0x4000, $0x38;
	[tilespmem:$0x8100] =	vst v63  }
0x25: {  	s19 =	simm.s32 $0x10;
	s20 =	simm.s32 $0x20;
	_ =	swait.ge [sflag:s10], $0x4000  }
0x26: {  	s18 =	sadd.s32 $0x800, s6;
	s17 =	sadd.s32 $0x800, s7;
	[sflag:s10] =	ssyncset.done $0x0  }
.LBB2_2:
0x27: {  	s21 =	sadd.s32 s19, s9  }
0x28: {  	[sflag:s10] =	ssyncadd.s32 $0xFFFFC000;
	s22 =	smov.u32 s20;
	s23 =	sadd.s32 $0x10, s20  }
0x29: {  	[tilespmem:s3], [sflag:$0x3] =	stream.linear.gather [hbm4b:s21+s3], $0x80, $0x38;
	[tilespmem:$0x8100] =	vst v63  }
0x2a: {  	p0 =	sne.s32 s20, $0x4F0;
	_ =	swait.ge [sflag:s10], $0x80  }
0x2b: {  	[sflag:s10] =	ssyncset.done $0x0  }
0x2c: {  	s20 =	sadd.s32 s19, s8;
	s19 =	smov.u32 s22;
	[sflag:s10] =	ssyncadd.s32 $0xFFFFFF80  }
0x2d: {  	[tilespmem:s11], [sflag:$0x3] =	stream.linear.gather [hbm4b:s20+s3], $0x80, $0x38;
	[tilespmem:$0x8100] =	vst v63  }
0x2e: {  	_ =	swait.ge [sflag:s10], $0x80  }
0x2f: {  	[sflag:s10] =	ssyncset.done $0x0  }
0x30: {  	[sflag:s10] =	ssyncadd.s32 $0xFFFFFF80  }
0x31: {  	[tilespmem:s12], [sflag:$0x1] =	stream.indirect.gather [hbm4b:s2+s11], $0x80, s3, s11, $0xb8;
	[tilespmem:$0x8100] =	vst v63  }
0x32: {  	_ = 	snop  }
0x33: {  	[tilespmem:s13], [sflag:$0x2] =	stream.indirect.gather [hbm4b:s4+s11], $0x80, s11, s11, $0xb8;
	[tilespmem:$0x8100] =	vst v63  }
0x34: {  	_ =	swait.ge [sflag:s14], $0x4000  }
0x35: {  	[sflag:s14] =	ssyncset.done $0x0  }
0x36: {  	[sflag:s14] =	ssyncadd.s32 $0xFFFFC000  }
0x37: {  	_ =	swait.ge [sflag:s15], $0x4000  }
0x38: {  	[sflag:s15] =	ssyncset.done $0x0  }
0x39: {  	[sflag:s15] =	ssyncadd.s32 $0xFFFFC000  }
0x3a: {  	[hbm4b:s18+s3] =	stream.linear.scatter [tilespmem:s12], [sflag:$0x3], $0x4000, $0x38;
	[tilespmem:$0x8100] =	vst v63  }
0x3b: {  	_ =	swait.ge [sflag:s10], $0x4000  }
.Ltmp0:
0x3c: {  	[sflag:s10] =	ssyncset.done $0x0;
	(pc) =	sbr.rel @p0 .LBB2_2-.Ltmp0, $4  }
0x3d: {  	[sflag:s10] =	ssyncadd.s32 $0xFFFFC000  }
0x3e: {  	[hbm4b:s17+s3] =	stream.linear.scatter [tilespmem:s13], [sflag:$0x3], $0x4000, $0x38;
	[tilespmem:$0x8100] =	vst v63  }
0x3f: {  	s20 =	smov.u32 s23;
	_ =	swait.ge [sflag:s10], $0x4000  }
0x40: {  	s18 =	sadd.s32 $0x800, s18;
	s17 =	sadd.s32 $0x800, s17;
	[sflag:s10] =	ssyncset.done $0x0  }
0x41: {  	s20 =	sadd.s32 s19, s9;
	[sflag:s10] =	ssyncadd.s32 $0xFFFFC000  }
0x42: {  	[tilespmem:s3], [sflag:$0x3] =	stream.linear.gather [hbm4b:s20+s3], $0x80, $0x38;
	[tilespmem:$0x8100] =	vst v63  }
0x43: {  	_ =	swait.ge [sflag:s10], $0x80  }
0x44: {  	[sflag:s10] =	ssyncset.done $0x0  }
0x45: {  	s31 =	sadd.s32 s19, s8;
	[sflag:s10] =	ssyncadd.s32 $0xFFFFFF80  }
0x46: {  	[tilespmem:s11], [sflag:$0x3] =	stream.linear.gather [hbm4b:s31+s3], $0x80, $0x38;
	[tilespmem:$0x8100] =	vst v63  }
0x47: {  	_ =	swait.ge [sflag:s10], $0x80  }
0x48: {  	[sflag:s10] =	ssyncset.done $0x0  }
0x49: {  	[sflag:s10] =	ssyncadd.s32 $0xFFFFFF80  }
0x4a: {  	[tilespmem:s12], [sflag:$0x1] =	stream.indirect.gather [hbm4b:s2+s11], $0x80, s3, s11, $0xb8;
	[tilespmem:$0x8100] =	vst v63  }
0x4b: {  	_ = 	snop  }
0x4c: {  	[tilespmem:s13], [sflag:$0x2] =	stream.indirect.gather [hbm4b:s4+s11], $0x80, s11, s11, $0xb8;
	[tilespmem:$0x8100] =	vst v63  }
0x4d: {  	_ =	swait.ge [sflag:s14], $0x4000  }
0x4e: {  	[sflag:s14] =	ssyncset.done $0x0  }
0x4f: {  	[sflag:s14] =	ssyncadd.s32 $0xFFFFC000  }
0x50: {  	_ =	swait.ge [sflag:s15], $0x4000  }
0x51: {  	[sflag:s15] =	ssyncset.done $0x0  }
0x52: {  	[sflag:s15] =	ssyncadd.s32 $0xFFFFC000  }
0x53: {  	[hbm4b:s18+s3] =	stream.linear.scatter [tilespmem:s12], [sflag:$0x3], $0x4000, $0x38;
	[tilespmem:$0x8100] =	vst v63  }
0x54: {  	s16 =	sadd.s32 $0x1, s16;
	_ =	swait.ge [sflag:s10], $0x4000  }
0x55: {  	p0 =	sne.s32 s16, s5;
	[sflag:s10] =	ssyncset.done $0x0  }
.Ltmp1:
0x56: {  	[sflag:s10] =	ssyncadd.s32 $0xFFFFC000;
	(pc) =	sbr.rel @p0 .LBB2_1-.Ltmp1, $4  }
0x57: {  	[hbm4b:s17+s3] =	stream.linear.scatter [tilespmem:s13], [sflag:$0x3], $0x4000, $0x38;
	[tilespmem:$0x8100] =	vst v63  }
0x58: {  	_ =	swait.ge [sflag:s10], $0x4000  }
0x59: {  	[sflag:s10] =	ssyncset.done $0x0  }
0x5a: {  	[sflag:s10] =	ssyncadd.s32 $0xFFFFC000  }
0x5b: {  	_ =	sfence.sel $0x180000  }
0x5c: {  	[bflag:$0x0] =	sbarrier.arrive $0xFFFF  }
0x5d: {  	p0 =	sne.s32 s1, $0x0;
	_ =	strace $0x90000047  }
0x5e: {  	s0 =	sadd.s32 @!p0 $0x100000, s0;
	[bflag:$0x2] =	sbarrier.arrive $0xFFFF  }
0x5f: {  	[sflag:s0] =	ssyncadd.tile.s32 @!p0 $0x1;
	_ =	shalt  }
.Lfunc_end2:
_tile_overlayer_lowered:
.L_overlay_start_2:
0x60: {  	(tag) =	ssettag $0x2  }
0x61: {  	s0 =	rddreg [dreg:$0x0];
	s2 =	stileid.u32  }
0x62: {  	s1 =	rddreg [dreg:$0x1];
	p0 =	sne.s32 s2, $0x0  }
0x63: {  	s3 =	rddreg [dreg:$0x2];
	[bflag:$0x3] =	sbarrier.arrive $0xFFFF;
	s2 =	simm.s32 @!p0 $0x1C03  }
0x64: {  	[timem:s3], [sflag:s2] =	dma.local @!p0 [hbm:s0], s1  }
0x65: {  	s0 =	simm.s32 @!p0 $0x3  }
0x66: {  	_ =	swait.ge @!p0 [sflag:s0], s1  }
0x67: {  	s1 =	ssub.s32 @!p0 $0x0, s1;
	[sflag:s0] =	ssyncset.done @!p0 $0x0  }
0x68: {  	[sflag:s0] =	ssyncadd.s32 @!p0 s1  }
0x69: {  	[bflag:$0x3] =	sbarrier.arrive $0xFFFF  }
0x6a: {  	_ =	shalt  }

</sc_bundles>
